<compile_context>
chip_gen: v7x
topology: tpu7x:2x2x1
jax: 0.10.2.dev20260603
libtpu: 0.0.44.dev20260713+nightly
codegen_flags: <defaults>
</compile_context>

<pallas_src>
import functools

import jax
import jax.numpy as jnp
from jax.experimental import pallas as pl
from jax.experimental.pallas import tpu as pltpu

_N_BOXES = 20000
_NUM_CLASSES = 8
_SCORE_THRESH = 0.05
_NMS_THRESH = 0.5
_DETS = 100
_PRE_NMS = 2000
_M = 2048
_B = 256
_NB = _M // _B
_NC = _NUM_CLASSES - 1


def _eyeb(n):
    r = jax.lax.broadcasted_iota(jnp.int32, (_NC, n, n), 1)
    c = jax.lax.broadcasted_iota(jnp.int32, (_NC, n, n), 2)
    return (r == c).astype(jnp.float32)


def _to_col(v, eyeb):
    return jax.lax.dot_general(
        eyeb, v, (((2,), (2,)), ((0,), (0,))),
        preferred_element_type=jnp.float32)


def _to_row(v, eyeb):
    return jax.lax.dot_general(
        v, eyeb, (((1,), (1,)), ((0,), (0,))),
        preferred_element_type=jnp.float32)


def _iou(rc, cc):
    dx = jnp.clip(
        jnp.minimum(rc["maxx"], cc["maxx"]) - jnp.maximum(rc["minx"], cc["minx"]),
        0.0, None)
    dy = jnp.clip(
        jnp.minimum(rc["maxy"], cc["maxy"]) - jnp.maximum(rc["miny"], cc["miny"]),
        0.0, None)
    dz = jnp.clip(
        jnp.minimum(rc["maxz"], cc["maxz"]) - jnp.maximum(rc["minz"], cc["minz"]),
        0.0, None)
    inter = (dx * dy) * dz
    union = rc["vol"] + cc["vol"] - inter
    return inter / (union + 1e-6)


def _nms_kernel(reg_ref, prop_ref, s_ref, so_ref, bo_ref, a_scr):
    s = s_ref[...]

    def rg(k):
        return reg_ref[:, k:k + 1, :]

    def pp(k):
        return prop_ref[:, k:k + 1, :]

    pw = pp(3) + 0.05
    plen = pp(4) + 0.05
    ph = pp(5) + 0.05
    cx = rg(0) / 10.0 * pw + pp(0)
    cy = rg(1) / 10.0 * plen + pp(1)
    cz = rg(2) / 10.0 * ph + pp(2)
    w = jnp.exp(jnp.clip(rg(3) / 5.0, -4.0, 4.0)) * pw
    l = jnp.exp(jnp.clip(rg(4) / 5.0, -4.0, 4.0)) * plen
    h = jnp.exp(jnp.clip(rg(5) / 5.0, -4.0, 4.0)) * ph
    yaw = rg(6) + pp(6)

    bo_ref[...] = jnp.concatenate([cx, cy, cz, w, l, h, yaw], axis=1)

    row = {
        "minx": cx - w * 0.5, "miny": cy - l * 0.5, "minz": cz - h * 0.5,
        "maxx": cx + w * 0.5, "maxy": cy + l * 0.5, "maxz": cz + h * 0.5,
        "vol": (w * l) * h,
    }

    eyeb = _eyeb(_B)
    lane = jax.lax.broadcasted_iota(jnp.int32, (_NC, 1, _B), 2)

    kb_rows = []
    for b in range(_NB):
        sl = slice(b * _B, (b + 1) * _B)
        blk = {k: v[:, :, sl] for k, v in row.items()}
        blk_col = {k: _to_col(v, eyeb) for k, v in blk.items()}
        valid = (s[:, :, sl] > 0.0).astype(jnp.float32)

        if b > 0:
            prev = {k: v[:, :, : b * _B] for k, v in row.items()}
            keep_prev = jnp.concatenate(kb_rows, axis=2)
            iou_prev = _iou(blk_col, prev)
            ext_col = jnp.any(
                jnp.logical_and(iou_prev > _NMS_THRESH, keep_prev > 0.5),
                axis=2, keepdims=True)
            ext = _to_row(ext_col.astype(jnp.float32), eyeb)
            valid_eff = jnp.where(ext > 0.5, 0.0, valid)
        else:
            valid_eff = valid

        a_scr[...] = _iou(blk_col, blk)

        def body(i, kb, valid_eff=valid_eff):
            arow = a_scr[:, pl.ds(i, 1), :]
            sup = jnp.max(arow * kb, axis=2, keepdims=True)
            flag = (sup <= _NMS_THRESH).astype(jnp.float32)
            onehot = (lane == i).astype(jnp.float32)
            return kb + onehot * valid_eff * flag

        kb = jax.lax.fori_loop(
            0, _B, body, jnp.zeros((_NC, 1, _B), jnp.float32))
        kb_rows.append(kb)

    keep = jnp.concatenate(kb_rows, axis=2)
    so_ref[...] = jnp.where(keep > 0.5, s, -1.0)


@functools.partial(jax.jit, static_argnames=("interpret",))
def _run(class_logits, box_regression, proposals, interpret=False):
    n, c = class_logits.shape
    probs = jax.nn.softmax(class_logits, axis=-1)
    sj = jnp.where(probs[:, 1:] > _SCORE_THRESH, probs[:, 1:], -1.0).T
    top_s, top_i = jax.lax.top_k(sj, _PRE_NMS)

    reg3 = box_regression.reshape(n, c, 7)
    cls_ids = jnp.arange(1, c, dtype=jnp.int32)
    reg_cand = jax.vmap(lambda idx, j: reg3[idx, j])(top_i, cls_ids)
    prop_cand = proposals[top_i]

    pad = _M - _PRE_NMS
    s_p = jnp.pad(top_s, ((0, 0), (0, pad)), constant_values=-1.0)[:, None, :]
    regs_t = jnp.pad(reg_cand, ((0, 0), (0, pad), (0, 0))).transpose(0, 2, 1)
    props_t = jnp.pad(prop_cand, ((0, 0), (0, pad), (0, 0))).transpose(0, 2, 1)

    scores_o, boxes_o = pl.pallas_call(
        _nms_kernel,
        out_shape=[
            jax.ShapeDtypeStruct((_NC, 1, _M), jnp.float32),
            jax.ShapeDtypeStruct((_NC, 7, _M), jnp.float32),
        ],
        scratch_shapes=[pltpu.VMEM((_NC, _B, _B), jnp.float32)],
        interpret=interpret,
    )(regs_t, props_t, s_p)

    scores = scores_o[:, 0, :_PRE_NMS].reshape(-1)
    boxes = boxes_o.transpose(0, 2, 1)[:, :_PRE_NMS].reshape(-1, 7)
    labels = jnp.repeat(jnp.arange(1, c, dtype=jnp.int32), _PRE_NMS)

    fs, fi = jax.lax.top_k(scores, _DETS)
    fb = boxes[fi]
    fl = labels[fi]
    out = jnp.concatenate([fb, fs[:, None]], axis=1)
    return out, fl


def kernel(class_logits, box_regression, proposals):
    return _run(class_logits, box_regression, proposals)

# --- scband reference (transcript-rebuilt; emitter-appended) ---
"""Pipeline reference for scband-post-processor-81106162418451 (READ-ONLY COPY).

The authoritative reference and input builder live on the scoring server;
editing this copy changes nothing except your own understanding.
"""

import jax, jax.numpy as jnp
import numpy as np

N_BOXES = 20000
NUM_CLASSES = 8
SCORE_THRESH = 0.05
NMS_THRESH = 0.5
DETECTIONS_PER_IMG = 100
PRE_NMS = 2000


def _decode(reg, proposals):
    # reg: [N, C, 7]; proposals: [N, 7] = (cx, cy, cz, w, l, h, yaw)
    # BoxCoder3D-style decode with weights (10, 10, 10, 5, 5, 5)
    wx, wy, wz, ww, wl, wh = 10.0, 10.0, 10.0, 5.0, 5.0, 5.0
    px = proposals[:, 0:1]
    py = proposals[:, 1:2]
    pz = proposals[:, 2:3]
    pw = proposals[:, 3:4] + 0.05
    pl = proposals[:, 4:5] + 0.05
    ph = proposals[:, 5:6] + 0.05
    pyaw = proposals[:, 6:7]
    cx = reg[..., 0] / wx * pw + px
    cy = reg[..., 1] / wy * pl + py
    cz = reg[..., 2] / wz * ph + pz
    w = jnp.exp(jnp.clip(reg[..., 3] / ww, -4.0, 4.0)) * pw
    l = jnp.exp(jnp.clip(reg[..., 4] / wl, -4.0, 4.0)) * pl
    h = jnp.exp(jnp.clip(reg[..., 5] / wh, -4.0, 4.0)) * ph
    yaw = reg[..., 6] + pyaw
    return jnp.stack([cx, cy, cz, w, l, h, yaw], axis=-1)


def _pairwise_iou3d(boxes):
    # axis-aligned 3D IoU on center-size boxes [M, 7]
    ctr = boxes[:, 0:3]
    dims = boxes[:, 3:6]
    mins = ctr - dims * 0.5
    maxs = ctr + dims * 0.5
    lo = jnp.maximum(mins[:, None, :], mins[None, :, :])
    hi = jnp.minimum(maxs[:, None, :], maxs[None, :, :])
    inter = jnp.prod(jnp.clip(hi - lo, 0.0, None), axis=-1)
    vol = jnp.prod(dims, axis=-1)
    union = vol[:, None] + vol[None, :] - inter
    return inter / (union + 1e-6)


def _greedy_nms(iou, valid, thresh):
    n = iou.shape[0]
    idx = jnp.arange(n)

    def body(i, keep):
        sup = jnp.any((idx < i) & keep & (iou[:, i] > thresh))
        return keep.at[i].set(keep[i] & jnp.logical_not(sup))

    return jax.lax.fori_loop(0, n, body, valid)


def _forward(class_logits, box_regression, proposals):
    probs = jax.nn.softmax(class_logits, axis=-1)
    n, c = class_logits.shape
    reg = box_regression.reshape(n, c, 7)
    decoded = _decode(reg, proposals)
    all_scores = []
    all_boxes = []
    all_labels = []
    for j in range(1, c):
        sj = jnp.where(probs[:, j] > SCORE_THRESH, probs[:, j], -1.0)
        top_s, top_i = jax.lax.top_k(sj, PRE_NMS)
        bj = decoded[top_i, j]
        valid = top_s > 0.0
        iou = _pairwise_iou3d(bj)
        keep = _greedy_nms(jax.lax.stop_gradient(iou), valid, NMS_THRESH)
        all_scores.append(jnp.where(keep, top_s, -1.0))
        all_boxes.append(bj)
        all_labels.append(jnp.full((PRE_NMS,), j, dtype=jnp.int32))
    scores = jnp.concatenate(all_scores, axis=0)
    boxes = jnp.concatenate(all_boxes, axis=0)
    labels = jnp.concatenate(all_labels, axis=0)
    fs, fi = jax.lax.top_k(scores, DETECTIONS_PER_IMG)
    fb = boxes[fi]
    fl = labels[fi]
    out = jnp.concatenate([fb, fs[:, None]], axis=1)
    return out, fl


def setup_inputs(seed: int = 0) -> dict:
    key = jax.random.key(seed)
    k1, k2, k3 = jax.random.split(key, 3)
    class_logits = jax.random.normal(k1, (N_BOXES, NUM_CLASSES), dtype=jnp.float32)
    box_regression = jax.random.normal(k2, (N_BOXES, NUM_CLASSES * 7), dtype=jnp.float32)
    proposals = jax.random.uniform(k3, (N_BOXES, 7), dtype=jnp.float32)
    return {"class_logits": class_logits, "box_regression": box_regression, "proposals": proposals}


def reference(class_logits, box_regression, proposals):
    return _forward(class_logits, box_regression, proposals)

if __name__ == "__main__":
    import jax
    _d = setup_inputs()
    print(jax.jit(kernel)(*tuple(_d.values())))

</pallas_src>

<mosaic_0001>
module attributes {stable_mosaic.version = 14 : i64} {
  func.func @_nms_kernel(%arg0: memref<7x7x2048xf32, #tpu.memory_space<vmem>>, %arg1: memref<7x7x2048xf32, #tpu.memory_space<vmem>>, %arg2: memref<7x1x2048xf32, #tpu.memory_space<vmem>>, %arg3: memref<7x1x2048xf32, #tpu.memory_space<vmem>>, %arg4: memref<7x7x2048xf32, #tpu.memory_space<vmem>>, %arg5: memref<7x256x256xf32, #tpu.memory_space<vmem>>) attributes {dimension_semantics = [], scalar_prefetch = 0 : i64, scratch_operands = 1 : i64, tpu.core_type = #tpu.core_type<tc>} {
    %get3A = arith.constant 0 : index
    %get3A_0 = arith.constant 0 : index
    %get3A_1 = arith.constant 0 : index
    %get3A_2 = vector.load %arg2[%get3A, %get3A_0, %get3A_1] : memref<7x1x2048xf32, #tpu.memory_space<vmem>>, vector<7x1x2048xf32>
    %get3A_3 = arith.constant 0 : index
    %get3A_4 = arith.constant 3 : index
    %get3A_5 = arith.constant 0 : index
    %get3A_6 = vector.load %arg1[%get3A_3, %get3A_4, %get3A_5] : memref<7x7x2048xf32, #tpu.memory_space<vmem>>, vector<7x1x2048xf32>
    %add3A = arith.constant 5.000000e-02 : f32
    %add3A_7 = vector.broadcast %add3A : f32 to vector<7x1x2048xf32>
    %add3A_8 = arith.addf %get3A_6, %add3A_7 : vector<7x1x2048xf32>
    %get3A_9 = arith.constant 0 : index
    %get3A_10 = arith.constant 4 : index
    %get3A_11 = arith.constant 0 : index
    %get3A_12 = vector.load %arg1[%get3A_9, %get3A_10, %get3A_11] : memref<7x7x2048xf32, #tpu.memory_space<vmem>>, vector<7x1x2048xf32>
    %add3A_13 = arith.constant 5.000000e-02 : f32
    %add3A_14 = vector.broadcast %add3A_13 : f32 to vector<7x1x2048xf32>
    %add3A_15 = arith.addf %get3A_12, %add3A_14 : vector<7x1x2048xf32>
    %get3A_16 = arith.constant 0 : index
    %get3A_17 = arith.constant 5 : index
    %get3A_18 = arith.constant 0 : index
    %get3A_19 = vector.load %arg1[%get3A_16, %get3A_17, %get3A_18] : memref<7x7x2048xf32, #tpu.memory_space<vmem>>, vector<7x1x2048xf32>
    %add3A_20 = arith.constant 5.000000e-02 : f32
    %add3A_21 = vector.broadcast %add3A_20 : f32 to vector<7x1x2048xf32>
    %add3A_22 = arith.addf %get3A_19, %add3A_21 : vector<7x1x2048xf32>
    %get3A_23 = arith.constant 0 : index
    %get3A_24 = arith.constant 0 : index
    %get3A_25 = arith.constant 0 : index
    %get3A_26 = vector.load %arg0[%get3A_23, %get3A_24, %get3A_25] : memref<7x7x2048xf32, #tpu.memory_space<vmem>>, vector<7x1x2048xf32>
    %div3A = arith.constant 1.000000e+01 : f32
    %div3A_27 = vector.broadcast %div3A : f32 to vector<7x1x2048xf32>
    %div3A_28 = arith.divf %get3A_26, %div3A_27 : vector<7x1x2048xf32>
    %mul3A = arith.mulf %div3A_28, %add3A_8 : vector<7x1x2048xf32>
    %get3A_29 = arith.constant 0 : index
    %get3A_30 = arith.constant 0 : index
    %get3A_31 = arith.constant 0 : index
    %get3A_32 = vector.load %arg1[%get3A_29, %get3A_30, %get3A_31] : memref<7x7x2048xf32, #tpu.memory_space<vmem>>, vector<7x1x2048xf32>
    %add3A_33 = arith.addf %mul3A, %get3A_32 : vector<7x1x2048xf32>
    %get3A_34 = arith.constant 0 : index
    %get3A_35 = arith.constant 1 : index
    %get3A_36 = arith.constant 0 : index
    %get3A_37 = vector.load %arg0[%get3A_34, %get3A_35, %get3A_36] : memref<7x7x2048xf32, #tpu.memory_space<vmem>>, vector<7x1x2048xf32>
    %div3A_38 = arith.constant 1.000000e+01 : f32
    %div3A_39 = vector.broadcast %div3A_38 : f32 to vector<7x1x2048xf32>
    %div3A_40 = arith.divf %get3A_37, %div3A_39 : vector<7x1x2048xf32>
    %mul3A_41 = arith.mulf %div3A_40, %add3A_15 : vector<7x1x2048xf32>
    %get3A_42 = arith.constant 0 : index
    %get3A_43 = arith.constant 1 : index
    %get3A_44 = arith.constant 0 : index
    %get3A_45 = vector.load %arg1[%get3A_42, %get3A_43, %get3A_44] : memref<7x7x2048xf32, #tpu.memory_space<vmem>>, vector<7x1x2048xf32>
    %add3A_46 = arith.addf %mul3A_41, %get3A_45 : vector<7x1x2048xf32>
    %get3A_47 = arith.constant 0 : index
    %get3A_48 = arith.constant 2 : index
    %get3A_49 = arith.constant 0 : index
    %get3A_50 = vector.load %arg0[%get3A_47, %get3A_48, %get3A_49] : memref<7x7x2048xf32, #tpu.memory_space<vmem>>, vector<7x1x2048xf32>
    %div3A_51 = arith.constant 1.000000e+01 : f32
    %div3A_52 = vector.broadcast %div3A_51 : f32 to vector<7x1x2048xf32>
    %div3A_53 = arith.divf %get3A_50, %div3A_52 : vector<7x1x2048xf32>
    %mul3A_54 = arith.mulf %div3A_53, %add3A_22 : vector<7x1x2048xf32>
    %get3A_55 = arith.constant 0 : index
    %get3A_56 = arith.constant 2 : index
    %get3A_57 = arith.constant 0 : index
    %get3A_58 = vector.load %arg1[%get3A_55, %get3A_56, %get3A_57] : memref<7x7x2048xf32, #tpu.memory_space<vmem>>, vector<7x1x2048xf32>
    %add3A_59 = arith.addf %mul3A_54, %get3A_58 : vector<7x1x2048xf32>
    %get3A_60 = arith.constant 0 : index
    %get3A_61 = arith.constant 3 : index
    %get3A_62 = arith.constant 0 : index
    %get3A_63 = vector.load %arg0[%get3A_60, %get3A_61, %get3A_62] : memref<7x7x2048xf32, #tpu.memory_space<vmem>>, vector<7x1x2048xf32>
    %div3A_64 = arith.constant 5.000000e+00 : f32
    %div3A_65 = vector.broadcast %div3A_64 : f32 to vector<7x1x2048xf32>
    %div3A_66 = arith.divf %get3A_63, %div3A_65 : vector<7x1x2048xf32>
    %jit3A = arith.constant -4.000000e+00 : f32
    %jit3A_67 = arith.constant 4.000000e+00 : f32
    %max3A = vector.broadcast %jit3A : f32 to vector<7x1x2048xf32>
    %max3A_68 = arith.maximumf %max3A, %div3A_66 : vector<7x1x2048xf32>
    %min3A = vector.broadcast %jit3A_67 : f32 to vector<7x1x2048xf32>
    %min3A_69 = arith.minimumf %min3A, %max3A_68 : vector<7x1x2048xf32>
    %exp3A = math.exp %min3A_69 : vector<7x1x2048xf32>
    %mul3A_70 = arith.mulf %exp3A, %add3A_8 : vector<7x1x2048xf32>
    %get3A_71 = arith.constant 0 : index
    %get3A_72 = arith.constant 4 : index
    %get3A_73 = arith.constant 0 : index
    %get3A_74 = vector.load %arg0[%get3A_71, %get3A_72, %get3A_73] : memref<7x7x2048xf32, #tpu.memory_space<vmem>>, vector<7x1x2048xf32>
    %div3A_75 = arith.constant 5.000000e+00 : f32
    %div3A_76 = vector.broadcast %div3A_75 : f32 to vector<7x1x2048xf32>
    %div3A_77 = arith.divf %get3A_74, %div3A_76 : vector<7x1x2048xf32>
    %jit3A_78 = arith.constant -4.000000e+00 : f32
    %jit3A_79 = arith.constant 4.000000e+00 : f32
    %max3A_80 = vector.broadcast %jit3A_78 : f32 to vector<7x1x2048xf32>
    %max3A_81 = arith.maximumf %max3A_80, %div3A_77 : vector<7x1x2048xf32>
    %min3A_82 = vector.broadcast %jit3A_79 : f32 to vector<7x1x2048xf32>
    %min3A_83 = arith.minimumf %min3A_82, %max3A_81 : vector<7x1x2048xf32>
    %exp3A_84 = math.exp %min3A_83 : vector<7x1x2048xf32>
    %mul3A_85 = arith.mulf %exp3A_84, %add3A_15 : vector<7x1x2048xf32>
    %get3A_86 = arith.constant 0 : index
    %get3A_87 = arith.constant 5 : index
    %get3A_88 = arith.constant 0 : index
    %get3A_89 = vector.load %arg0[%get3A_86, %get3A_87, %get3A_88] : memref<7x7x2048xf32, #tpu.memory_space<vmem>>, vector<7x1x2048xf32>
    %div3A_90 = arith.constant 5.000000e+00 : f32
    %div3A_91 = vector.broadcast %div3A_90 : f32 to vector<7x1x2048xf32>
    %div3A_92 = arith.divf %get3A_89, %div3A_91 : vector<7x1x2048xf32>
    %jit3A_93 = arith.constant -4.000000e+00 : f32
    %jit3A_94 = arith.constant 4.000000e+00 : f32
    %max3A_95 = vector.broadcast %jit3A_93 : f32 to vector<7x1x2048xf32>
    %max3A_96 = arith.maximumf %max3A_95, %div3A_92 : vector<7x1x2048xf32>
    %min3A_97 = vector.broadcast %jit3A_94 : f32 to vector<7x1x2048xf32>
    %min3A_98 = arith.minimumf %min3A_97, %max3A_96 : vector<7x1x2048xf32>
    %exp3A_99 = math.exp %min3A_98 : vector<7x1x2048xf32>
    %mul3A_100 = arith.mulf %exp3A_99, %add3A_22 : vector<7x1x2048xf32>
    %get3A_101 = arith.constant 0 : index
    %get3A_102 = arith.constant 6 : index
    %get3A_103 = arith.constant 0 : index
    %get3A_104 = vector.load %arg0[%get3A_101, %get3A_102, %get3A_103] : memref<7x7x2048xf32, #tpu.memory_space<vmem>>, vector<7x1x2048xf32>
    %get3A_105 = arith.constant 0 : index
    %get3A_106 = arith.constant 6 : index
    %get3A_107 = arith.constant 0 : index
    %get3A_108 = vector.load %arg1[%get3A_105, %get3A_106, %get3A_107] : memref<7x7x2048xf32, #tpu.memory_space<vmem>>, vector<7x1x2048xf32>
    %add3A_109 = arith.addf %get3A_104, %get3A_108 : vector<7x1x2048xf32>
    %concatenate3A = tpu.concatenate %add3A_33, %add3A_46, %add3A_59, %mul3A_70, %mul3A_85, %mul3A_100, %add3A_109 in 1 : vector<7x1x2048xf32>, vector<7x1x2048xf32>, vector<7x1x2048xf32>, vector<7x1x2048xf32>, vector<7x1x2048xf32>, vector<7x1x2048xf32>, vector<7x1x2048xf32> -> vector<7x7x2048xf32>
    %swap3A = arith.constant 0 : index
    %swap3A_110 = arith.constant 0 : index
    %swap3A_111 = arith.constant 0 : index
    %swap3A_112 = vector.load %arg4[%swap3A, %swap3A_110, %swap3A_111] : memref<7x7x2048xf32, #tpu.memory_space<vmem>>, vector<7x7x2048xf32>
    tpu.vector_store %arg4[%swap3A, %swap3A_110, %swap3A_111], %concatenate3A {strides = array<i32>} : memref<7x7x2048xf32, #tpu.memory_space<vmem>>, vector<7x7x2048xf32>,
    %mul3A_113 = arith.constant 5.000000e-01 : f32
    %mul3A_114 = vector.broadcast %mul3A_113 : f32 to vector<7x1x2048xf32>
    %mul3A_115 = arith.mulf %mul3A_70, %mul3A_114 : vector<7x1x2048xf32>
    %sub3A = arith.subf %add3A_33, %mul3A_115 : vector<7x1x2048xf32>
    %mul3A_116 = arith.constant 5.000000e-01 : f32
    %mul3A_117 = vector.broadcast %mul3A_116 : f32 to vector<7x1x2048xf32>
    %mul3A_118 = arith.mulf %mul3A_85, %mul3A_117 : vector<7x1x2048xf32>
    %sub3A_119 = arith.subf %add3A_46, %mul3A_118 : vector<7x1x2048xf32>
    %mul3A_120 = arith.constant 5.000000e-01 : f32
    %mul3A_121 = vector.broadcast %mul3A_120 : f32 to vector<7x1x2048xf32>
    %mul3A_122 = arith.mulf %mul3A_100, %mul3A_121 : vector<7x1x2048xf32>
    %sub3A_123 = arith.subf %add3A_59, %mul3A_122 : vector<7x1x2048xf32>
    %mul3A_124 = arith.constant 5.000000e-01 : f32
    %mul3A_125 = vector.broadcast %mul3A_124 : f32 to vector<7x1x2048xf32>
    %mul3A_126 = arith.mulf %mul3A_70, %mul3A_125 : vector<7x1x2048xf32>
    %add3A_127 = arith.addf %add3A_33, %mul3A_126 : vector<7x1x2048xf32>
    %mul3A_128 = arith.constant 5.000000e-01 : f32
    %mul3A_129 = vector.broadcast %mul3A_128 : f32 to vector<7x1x2048xf32>
    %mul3A_130 = arith.mulf %mul3A_85, %mul3A_129 : vector<7x1x2048xf32>
    %add3A_131 = arith.addf %add3A_46, %mul3A_130 : vector<7x1x2048xf32>
    %mul3A_132 = arith.constant 5.000000e-01 : f32
    %mul3A_133 = vector.broadcast %mul3A_132 : f32 to vector<7x1x2048xf32>
    %mul3A_134 = arith.mulf %mul3A_100, %mul3A_133 : vector<7x1x2048xf32>
    %add3A_135 = arith.addf %add3A_59, %mul3A_134 : vector<7x1x2048xf32>
    %mul3A_136 = arith.mulf %mul3A_70, %mul3A_85 : vector<7x1x2048xf32>
    %mul3A_137 = arith.mulf %mul3A_136, %mul3A_100 : vector<7x1x2048xf32>
    %iota3A = tpu.iota {dimensions = array<i32: 1>} : vector<7x256x256xi32>
    %iota3A_138 = tpu.iota {dimensions = array<i32: 2>} : vector<7x256x256xi32>
    %eq3A = arith.cmpi eq, %iota3A, %iota3A_138 : vector<7x256x256xi32>
    %convert_element_type3A = arith.extui %eq3A : vector<7x256x256xi1> to vector<7x256x256xi32>
    %convert_element_type3A_139 = arith.sitofp %convert_element_type3A : vector<7x256x256xi32> to vector<7x256x256xf32>
    %iota3A_140 = tpu.iota {dimensions = array<i32: 2>} : vector<7x1x256xi32>
    %slice3A = vector.extract_strided_slice %sub3A {offsets = [0, 0, 0], sizes = [7, 1, 256], strides = [1, 1, 1]} : vector<7x1x2048xf32> to vector<7x1x256xf32>
    %slice3A_141 = vector.extract_strided_slice %sub3A_119 {offsets = [0, 0, 0], sizes = [7, 1, 256], strides = [1, 1, 1]} : vector<7x1x2048xf32> to vector<7x1x256xf32>
    %slice3A_142 = vector.extract_strided_slice %sub3A_123 {offsets = [0, 0, 0], sizes = [7, 1, 256], strides = [1, 1, 1]} : vector<7x1x2048xf32> to vector<7x1x256xf32>
    %slice3A_143 = vector.extract_strided_slice %add3A_127 {offsets = [0, 0, 0], sizes = [7, 1, 256], strides = [1, 1, 1]} : vector<7x1x2048xf32> to vector<7x1x256xf32>
    %slice3A_144 = vector.extract_strided_slice %add3A_131 {offsets = [0, 0, 0], sizes = [7, 1, 256], strides = [1, 1, 1]} : vector<7x1x2048xf32> to vector<7x1x256xf32>
    %slice3A_145 = vector.extract_strided_slice %add3A_135 {offsets = [0, 0, 0], sizes = [7, 1, 256], strides = [1, 1, 1]} : vector<7x1x2048xf32> to vector<7x1x256xf32>
    %slice3A_146 = vector.extract_strided_slice %mul3A_137 {offsets = [0, 0, 0], sizes = [7, 1, 256], strides = [1, 1, 1]} : vector<7x1x2048xf32> to vector<7x1x256xf32>
    %dot_general3A = arith.constant dense<0.000000e+00> : vector<7x256x1xf32>
    %dot_general3A_147 = tpu.matmul %convert_element_type3A_139, %slice3A, %dot_general3A {dimension_numbers = #tpu.dot_dimension_numbers<[2], [2], [1], [1], [0, 0, 0, 1, 1, 1], [0], [0]>, transpose_lhs_hint = false} : vector<7x256x256xf32>, vector<7x1x256xf32>, vector<7x256x1xf32> -> vector<7x256x1xf32>
    %dot_general3A_148 = arith.constant dense<0.000000e+00> : vector<7x256x1xf32>
    %dot_general3A_149 = tpu.matmul %convert_element_type3A_139, %slice3A_141, %dot_general3A_148 {dimension_numbers = #tpu.dot_dimension_numbers<[2], [2], [1], [1], [0, 0, 0, 1, 1, 1], [0], [0]>, transpose_lhs_hint = false} : vector<7x256x256xf32>, vector<7x1x256xf32>, vector<7x256x1xf32> -> vector<7x256x1xf32>
    %dot_general3A_150 = arith.constant dense<0.000000e+00> : vector<7x256x1xf32>
    %dot_general3A_151 = tpu.matmul %convert_element_type3A_139, %slice3A_142, %dot_general3A_150 {dimension_numbers = #tpu.dot_dimension_numbers<[2], [2], [1], [1], [0, 0, 0, 1, 1, 1], [0], [0]>, transpose_lhs_hint = false} : vector<7x256x256xf32>, vector<7x1x256xf32>, vector<7x256x1xf32> -> vector<7x256x1xf32>
    %dot_general3A_152 = arith.constant dense<0.000000e+00> : vector<7x256x1xf32>
    %dot_general3A_153 = tpu.matmul %convert_element_type3A_139, %slice3A_143, %dot_general3A_152 {dimension_numbers = #tpu.dot_dimension_numbers<[2], [2], [1], [1], [0, 0, 0, 1, 1, 1], [0], [0]>, transpose_lhs_hint = false} : vector<7x256x256xf32>, vector<7x1x256xf32>, vector<7x256x1xf32> -> vector<7x256x1xf32>
    %dot_general3A_154 = arith.constant dense<0.000000e+00> : vector<7x256x1xf32>
    %dot_general3A_155 = tpu.matmul %convert_element_type3A_139, %slice3A_144, %dot_general3A_154 {dimension_numbers = #tpu.dot_dimension_numbers<[2], [2], [1], [1], [0, 0, 0, 1, 1, 1], [0], [0]>, transpose_lhs_hint = false} : vector<7x256x256xf32>, vector<7x1x256xf32>, vector<7x256x1xf32> -> vector<7x256x1xf32>
    %dot_general3A_156 = arith.constant dense<0.000000e+00> : vector<7x256x1xf32>
    %dot_general3A_157 = tpu.matmul %convert_element_type3A_139, %slice3A_145, %dot_general3A_156 {dimension_numbers = #tpu.dot_dimension_numbers<[2], [2], [1], [1], [0, 0, 0, 1, 1, 1], [0], [0]>, transpose_lhs_hint = false} : vector<7x256x256xf32>, vector<7x1x256xf32>, vector<7x256x1xf32> -> vector<7x256x1xf32>
    %dot_general3A_158 = arith.constant dense<0.000000e+00> : vector<7x256x1xf32>
    %dot_general3A_159 = tpu.matmul %convert_element_type3A_139, %slice3A_146, %dot_general3A_158 {dimension_numbers = #tpu.dot_dimension_numbers<[2], [2], [1], [1], [0, 0, 0, 1, 1, 1], [0], [0]>, transpose_lhs_hint = false} : vector<7x256x256xf32>, vector<7x1x256xf32>, vector<7x256x1xf32> -> vector<7x256x1xf32>
    %slice3A_160 = vector.extract_strided_slice %get3A_2 {offsets = [0, 0, 0], sizes = [7, 1, 256], strides = [1, 1, 1]} : vector<7x1x2048xf32> to vector<7x1x256xf32>
    %gt3A = arith.constant 0.000000e+00 : f32
    %gt3A_161 = vector.broadcast %gt3A : f32 to vector<7x1x256xf32>
    %gt3A_162 = arith.cmpf ogt, %slice3A_160, %gt3A_161 : vector<7x1x256xf32>
    %convert_element_type3A_163 = arith.extui %gt3A_162 : vector<7x1x256xi1> to vector<7x1x256xi32>
    %convert_element_type3A_164 = arith.sitofp %convert_element_type3A_163 : vector<7x1x256xi32> to vector<7x1x256xf32>
    %min3A_165 = vector.broadcast %dot_general3A_153 : vector<7x256x1xf32> to vector<7x256x256xf32>
    %min3A_166 = vector.broadcast %slice3A_143 : vector<7x1x256xf32> to vector<7x256x256xf32>
    %min3A_167 = arith.minimumf %min3A_165, %min3A_166 : vector<7x256x256xf32>
    %max3A_168 = vector.broadcast %dot_general3A_147 : vector<7x256x1xf32> to vector<7x256x256xf32>
    %max3A_169 = vector.broadcast %slice3A : vector<7x1x256xf32> to vector<7x256x256xf32>
    %max3A_170 = arith.maximumf %max3A_168, %max3A_169 : vector<7x256x256xf32>
    %sub3A_171 = arith.subf %min3A_167, %max3A_170 : vector<7x256x256xf32>
    %jit3A_172 = arith.constant 0.000000e+00 : f32
    %max3A_173 = vector.broadcast %jit3A_172 : f32 to vector<7x256x256xf32>
    %max3A_174 = arith.maximumf %max3A_173, %sub3A_171 : vector<7x256x256xf32>
    %min3A_175 = vector.broadcast %dot_general3A_155 : vector<7x256x1xf32> to vector<7x256x256xf32>
    %min3A_176 = vector.broadcast %slice3A_144 : vector<7x1x256xf32> to vector<7x256x256xf32>
    %min3A_177 = arith.minimumf %min3A_175, %min3A_176 : vector<7x256x256xf32>
    %max3A_178 = vector.broadcast %dot_general3A_149 : vector<7x256x1xf32> to vector<7x256x256xf32>
    %max3A_179 = vector.broadcast %slice3A_141 : vector<7x1x256xf32> to vector<7x256x256xf32>
    %max3A_180 = arith.maximumf %max3A_178, %max3A_179 : vector<7x256x256xf32>
    %sub3A_181 = arith.subf %min3A_177, %max3A_180 : vector<7x256x256xf32>
    %jit3A_182 = arith.constant 0.000000e+00 : f32
    %max3A_183 = vector.broadcast %jit3A_182 : f32 to vector<7x256x256xf32>
    %max3A_184 = arith.maximumf %max3A_183, %sub3A_181 : vector<7x256x256xf32>
    %min3A_185 = vector.broadcast %dot_general3A_157 : vector<7x256x1xf32> to vector<7x256x256xf32>
    %min3A_186 = vector.broadcast %slice3A_145 : vector<7x1x256xf32> to vector<7x256x256xf32>
    %min3A_187 = arith.minimumf %min3A_185, %min3A_186 : vector<7x256x256xf32>
    %max3A_188 = vector.broadcast %dot_general3A_151 : vector<7x256x1xf32> to vector<7x256x256xf32>
    %max3A_189 = vector.broadcast %slice3A_142 : vector<7x1x256xf32> to vector<7x256x256xf32>
    %max3A_190 = arith.maximumf %max3A_188, %max3A_189 : vector<7x256x256xf32>
    %sub3A_191 = arith.subf %min3A_187, %max3A_190 : vector<7x256x256xf32>
    %jit3A_192 = arith.constant 0.000000e+00 : f32
    %max3A_193 = vector.broadcast %jit3A_192 : f32 to vector<7x256x256xf32>
    %max3A_194 = arith.maximumf %max3A_193, %sub3A_191 : vector<7x256x256xf32>
    %mul3A_195 = arith.mulf %max3A_174, %max3A_184 : vector<7x256x256xf32>
    %mul3A_196 = arith.mulf %mul3A_195, %max3A_194 : vector<7x256x256xf32>
    %add3A_197 = vector.broadcast %dot_general3A_159 : vector<7x256x1xf32> to vector<7x256x256xf32>
    %add3A_198 = vector.broadcast %slice3A_146 : vector<7x1x256xf32> to vector<7x256x256xf32>
    %add3A_199 = arith.addf %add3A_197, %add3A_198 : vector<7x256x256xf32>
    %sub3A_200 = arith.subf %add3A_199, %mul3A_196 : vector<7x256x256xf32>
    %add3A_201 = arith.constant 9.99999997E-7 : f32
    %add3A_202 = vector.broadcast %add3A_201 : f32 to vector<7x256x256xf32>
    %add3A_203 = arith.addf %sub3A_200, %add3A_202 : vector<7x256x256xf32>
    %div3A_204 = arith.divf %mul3A_196, %add3A_203 : vector<7x256x256xf32>
    %swap3A_205 = arith.constant 0 : index
    %swap3A_206 = arith.constant 0 : index
    %swap3A_207 = arith.constant 0 : index
    %swap3A_208 = vector.load %arg5[%swap3A_205, %swap3A_206, %swap3A_207] : memref<7x256x256xf32, #tpu.memory_space<vmem>>, vector<7x256x256xf32>
    tpu.vector_store %arg5[%swap3A_205, %swap3A_206, %swap3A_207], %div3A_204 {strides = array<i32>} : memref<7x256x256xf32, #tpu.memory_space<vmem>>, vector<7x256x256xf32>,
    %broadcast_in_dim3A = arith.constant 0.000000e+00 : f32
    %broadcast_in_dim3A_209 = vector.broadcast %broadcast_in_dim3A : f32 to vector<7x1x256xf32>
    %scan3A = arith.constant 0 : i32
    %scan3A_210 = arith.constant 256 : i32
    %scan3A_211 = arith.addi %scan3A, %scan3A_210 : i32
    %scan3A_212 = arith.constant 1 : i32
    %scan3A_213 = scf.for %scan3A_1314 = %scan3A to %scan3A_211 step %scan3A_212 iter_args(%scan3A_1315 = %broadcast_in_dim3A_209) -> (vector<7x1x256xf32>)  : i32 {
      %get3A_1316 = arith.constant 0 : index
      %get3A_1317 = arith.index_cast %scan3A_1314 : i32 to index
      %get3A_1318 = arith.constant 0 : index
      %get3A_1319 = vector.load %arg5[%get3A_1316, %get3A_1317, %get3A_1318] : memref<7x256x256xf32, #tpu.memory_space<vmem>>, vector<7x1x256xf32>
      %mul3A_1320 = arith.mulf %get3A_1319, %scan3A_1315 : vector<7x1x256xf32>
      %reduce_max3A = arith.constant dense<0xFF800000> : vector<7x1xf32>
      %reduce_max3A_1321 = vector.multi_reduction <maximumf>, %mul3A_1320, %reduce_max3A [2] : vector<7x1x256xf32> to vector<7x1xf32>
      %broadcast_in_dim3A_1322 = vector.shape_cast %reduce_max3A_1321 : vector<7x1xf32> to vector<7x1x1xf32>
      %le3A = arith.constant 5.000000e-01 : f32
      %le3A_1323 = vector.broadcast %le3A : f32 to vector<7x1x1xf32>
      %le3A_1324 = arith.cmpf ole, %broadcast_in_dim3A_1322, %le3A_1323 : vector<7x1x1xf32>
      %convert_element_type3A_1325 = arith.extui %le3A_1324 : vector<7x1x1xi1> to vector<7x1x1xi32>
      %convert_element_type3A_1326 = arith.sitofp %convert_element_type3A_1325 : vector<7x1x1xi32> to vector<7x1x1xf32>
      %eq3A_1327 = vector.broadcast %scan3A_1314 : i32 to vector<7x1x256xi32>
      %eq3A_1328 = arith.cmpi eq, %iota3A_140, %eq3A_1327 : vector<7x1x256xi32>
      %convert_element_type3A_1329 = arith.extui %eq3A_1328 : vector<7x1x256xi1> to vector<7x1x256xi32>
      %convert_element_type3A_1330 = arith.sitofp %convert_element_type3A_1329 : vector<7x1x256xi32> to vector<7x1x256xf32>
      %mul3A_1331 = arith.mulf %convert_element_type3A_1330, %convert_element_type3A_164 : vector<7x1x256xf32>
      %mul3A_1332 = vector.broadcast %convert_element_type3A_1326 : vector<7x1x1xf32> to vector<7x1x256xf32>
      %mul3A_1333 = arith.mulf %mul3A_1331, %mul3A_1332 : vector<7x1x256xf32>
      %add3A_1334 = arith.addf %scan3A_1315, %mul3A_1333 : vector<7x1x256xf32>
      scf.yield %add3A_1334 : vector<7x1x256xf32>
    }
    %scan3A_214 = arith.constant 256 : i32
    %slice3A_215 = vector.extract_strided_slice %sub3A {offsets = [0, 0, 256], sizes = [7, 1, 256], strides = [1, 1, 1]} : vector<7x1x2048xf32> to vector<7x1x256xf32>
    %slice3A_216 = vector.extract_strided_slice %sub3A_119 {offsets = [0, 0, 256], sizes = [7, 1, 256], strides = [1, 1, 1]} : vector<7x1x2048xf32> to vector<7x1x256xf32>
    %slice3A_217 = vector.extract_strided_slice %sub3A_123 {offsets = [0, 0, 256], sizes = [7, 1, 256], strides = [1, 1, 1]} : vector<7x1x2048xf32> to vector<7x1x256xf32>
    %slice3A_218 = vector.extract_strided_slice %add3A_127 {offsets = [0, 0, 256], sizes = [7, 1, 256], strides = [1, 1, 1]} : vector<7x1x2048xf32> to vector<7x1x256xf32>
    %slice3A_219 = vector.extract_strided_slice %add3A_131 {offsets = [0, 0, 256], sizes = [7, 1, 256], strides = [1, 1, 1]} : vector<7x1x2048xf32> to vector<7x1x256xf32>
    %slice3A_220 = vector.extract_strided_slice %add3A_135 {offsets = [0, 0, 256], sizes = [7, 1, 256], strides = [1, 1, 1]} : vector<7x1x2048xf32> to vector<7x1x256xf32>
    %slice3A_221 = vector.extract_strided_slice %mul3A_137 {offsets = [0, 0, 256], sizes = [7, 1, 256], strides = [1, 1, 1]} : vector<7x1x2048xf32> to vector<7x1x256xf32>
    %dot_general3A_222 = arith.constant dense<0.000000e+00> : vector<7x256x1xf32>
    %dot_general3A_223 = tpu.matmul %convert_element_type3A_139, %slice3A_215, %dot_general3A_222 {dimension_numbers = #tpu.dot_dimension_numbers<[2], [2], [1], [1], [0, 0, 0, 1, 1, 1], [0], [0]>, transpose_lhs_hint = false} : vector<7x256x256xf32>, vector<7x1x256xf32>, vector<7x256x1xf32> -> vector<7x256x1xf32>
    %dot_general3A_224 = arith.constant dense<0.000000e+00> : vector<7x256x1xf32>
    %dot_general3A_225 = tpu.matmul %convert_element_type3A_139, %slice3A_216, %dot_general3A_224 {dimension_numbers = #tpu.dot_dimension_numbers<[2], [2], [1], [1], [0, 0, 0, 1, 1, 1], [0], [0]>, transpose_lhs_hint = false} : vector<7x256x256xf32>, vector<7x1x256xf32>, vector<7x256x1xf32> -> vector<7x256x1xf32>
    %dot_general3A_226 = arith.constant dense<0.000000e+00> : vector<7x256x1xf32>
    %dot_general3A_227 = tpu.matmul %convert_element_type3A_139, %slice3A_217, %dot_general3A_226 {dimension_numbers = #tpu.dot_dimension_numbers<[2], [2], [1], [1], [0, 0, 0, 1, 1, 1], [0], [0]>, transpose_lhs_hint = false} : vector<7x256x256xf32>, vector<7x1x256xf32>, vector<7x256x1xf32> -> vector<7x256x1xf32>
    %dot_general3A_228 = arith.constant dense<0.000000e+00> : vector<7x256x1xf32>
    %dot_general3A_229 = tpu.matmul %convert_element_type3A_139, %slice3A_218, %dot_general3A_228 {dimension_numbers = #tpu.dot_dimension_numbers<[2], [2], [1], [1], [0, 0, 0, 1, 1, 1], [0], [0]>, transpose_lhs_hint = false} : vector<7x256x256xf32>, vector<7x1x256xf32>, vector<7x256x1xf32> -> vector<7x256x1xf32>
    %dot_general3A_230 = arith.constant dense<0.000000e+00> : vector<7x256x1xf32>
    %dot_general3A_231 = tpu.matmul %convert_element_type3A_139, %slice3A_219, %dot_general3A_230 {dimension_numbers = #tpu.dot_dimension_numbers<[2], [2], [1], [1], [0, 0, 0, 1, 1, 1], [0], [0]>, transpose_lhs_hint = false} : vector<7x256x256xf32>, vector<7x1x256xf32>, vector<7x256x1xf32> -> vector<7x256x1xf32>
    %dot_general3A_232 = arith.constant dense<0.000000e+00> : vector<7x256x1xf32>
    %dot_general3A_233 = tpu.matmul %convert_element_type3A_139, %slice3A_220, %dot_general3A_232 {dimension_numbers = #tpu.dot_dimension_numbers<[2], [2], [1], [1], [0, 0, 0, 1, 1, 1], [0], [0]>, transpose_lhs_hint = false} : vector<7x256x256xf32>, vector<7x1x256xf32>, vector<7x256x1xf32> -> vector<7x256x1xf32>
    %dot_general3A_234 = arith.constant dense<0.000000e+00> : vector<7x256x1xf32>
    %dot_general3A_235 = tpu.matmul %convert_element_type3A_139, %slice3A_221, %dot_general3A_234 {dimension_numbers = #tpu.dot_dimension_numbers<[2], [2], [1], [1], [0, 0, 0, 1, 1, 1], [0], [0]>, transpose_lhs_hint = false} : vector<7x256x256xf32>, vector<7x1x256xf32>, vector<7x256x1xf32> -> vector<7x256x1xf32>
    %slice3A_236 = vector.extract_strided_slice %get3A_2 {offsets = [0, 0, 256], sizes = [7, 1, 256], strides = [1, 1, 1]} : vector<7x1x2048xf32> to vector<7x1x256xf32>
    %gt3A_237 = arith.constant 0.000000e+00 : f32
    %gt3A_238 = vector.broadcast %gt3A_237 : f32 to vector<7x1x256xf32>
    %gt3A_239 = arith.cmpf ogt, %slice3A_236, %gt3A_238 : vector<7x1x256xf32>
    %convert_element_type3A_240 = arith.extui %gt3A_239 : vector<7x1x256xi1> to vector<7x1x256xi32>
    %convert_element_type3A_241 = arith.sitofp %convert_element_type3A_240 : vector<7x1x256xi32> to vector<7x1x256xf32>
    %slice3A_242 = vector.extract_strided_slice %sub3A {offsets = [0, 0, 0], sizes = [7, 1, 256], strides = [1, 1, 1]} : vector<7x1x2048xf32> to vector<7x1x256xf32>
    %slice3A_243 = vector.extract_strided_slice %sub3A_119 {offsets = [0, 0, 0], sizes = [7, 1, 256], strides = [1, 1, 1]} : vector<7x1x2048xf32> to vector<7x1x256xf32>
    %slice3A_244 = vector.extract_strided_slice %sub3A_123 {offsets = [0, 0, 0], sizes = [7, 1, 256], strides = [1, 1, 1]} : vector<7x1x2048xf32> to vector<7x1x256xf32>
    %slice3A_245 = vector.extract_strided_slice %add3A_127 {offsets = [0, 0, 0], sizes = [7, 1, 256], strides = [1, 1, 1]} : vector<7x1x2048xf32> to vector<7x1x256xf32>
    %slice3A_246 = vector.extract_strided_slice %add3A_131 {offsets = [0, 0, 0], sizes = [7, 1, 256], strides = [1, 1, 1]} : vector<7x1x2048xf32> to vector<7x1x256xf32>
    %slice3A_247 = vector.extract_strided_slice %add3A_135 {offsets = [0, 0, 0], sizes = [7, 1, 256], strides = [1, 1, 1]} : vector<7x1x2048xf32> to vector<7x1x256xf32>
    %slice3A_248 = vector.extract_strided_slice %mul3A_137 {offsets = [0, 0, 0], sizes = [7, 1, 256], strides = [1, 1, 1]} : vector<7x1x2048xf32> to vector<7x1x256xf32>
    %min3A_249 = vector.broadcast %dot_general3A_229 : vector<7x256x1xf32> to vector<7x256x256xf32>
    %min3A_250 = vector.broadcast %slice3A_245 : vector<7x1x256xf32> to vector<7x256x256xf32>
    %min3A_251 = arith.minimumf %min3A_249, %min3A_250 : vector<7x256x256xf32>
    %max3A_252 = vector.broadcast %dot_general3A_223 : vector<7x256x1xf32> to vector<7x256x256xf32>
    %max3A_253 = vector.broadcast %slice3A_242 : vector<7x1x256xf32> to vector<7x256x256xf32>
    %max3A_254 = arith.maximumf %max3A_252, %max3A_253 : vector<7x256x256xf32>
    %sub3A_255 = arith.subf %min3A_251, %max3A_254 : vector<7x256x256xf32>
    %jit3A_256 = arith.constant 0.000000e+00 : f32
    %max3A_257 = vector.broadcast %jit3A_256 : f32 to vector<7x256x256xf32>
    %max3A_258 = arith.maximumf %max3A_257, %sub3A_255 : vector<7x256x256xf32>
    %min3A_259 = vector.broadcast %dot_general3A_231 : vector<7x256x1xf32> to vector<7x256x256xf32>
    %min3A_260 = vector.broadcast %slice3A_246 : vector<7x1x256xf32> to vector<7x256x256xf32>
    %min3A_261 = arith.minimumf %min3A_259, %min3A_260 : vector<7x256x256xf32>
    %max3A_262 = vector.broadcast %dot_general3A_225 : vector<7x256x1xf32> to vector<7x256x256xf32>
    %max3A_263 = vector.broadcast %slice3A_243 : vector<7x1x256xf32> to vector<7x256x256xf32>
    %max3A_264 = arith.maximumf %max3A_262, %max3A_263 : vector<7x256x256xf32>
    %sub3A_265 = arith.subf %min3A_261, %max3A_264 : vector<7x256x256xf32>
    %jit3A_266 = arith.constant 0.000000e+00 : f32
    %max3A_267 = vector.broadcast %jit3A_266 : f32 to vector<7x256x256xf32>
    %max3A_268 = arith.maximumf %max3A_267, %sub3A_265 : vector<7x256x256xf32>
    %min3A_269 = vector.broadcast %dot_general3A_233 : vector<7x256x1xf32> to vector<7x256x256xf32>
    %min3A_270 = vector.broadcast %slice3A_247 : vector<7x1x256xf32> to vector<7x256x256xf32>
    %min3A_271 = arith.minimumf %min3A_269, %min3A_270 : vector<7x256x256xf32>
    %max3A_272 = vector.broadcast %dot_general3A_227 : vector<7x256x1xf32> to vector<7x256x256xf32>
    %max3A_273 = vector.broadcast %slice3A_244 : vector<7x1x256xf32> to vector<7x256x256xf32>
    %max3A_274 = arith.maximumf %max3A_272, %max3A_273 : vector<7x256x256xf32>
    %sub3A_275 = arith.subf %min3A_271, %max3A_274 : vector<7x256x256xf32>
    %jit3A_276 = arith.constant 0.000000e+00 : f32
    %max3A_277 = vector.broadcast %jit3A_276 : f32 to vector<7x256x256xf32>
    %max3A_278 = arith.maximumf %max3A_277, %sub3A_275 : vector<7x256x256xf32>
    %mul3A_279 = arith.mulf %max3A_258, %max3A_268 : vector<7x256x256xf32>
    %mul3A_280 = arith.mulf %mul3A_279, %max3A_278 : vector<7x256x256xf32>
    %add3A_281 = vector.broadcast %dot_general3A_235 : vector<7x256x1xf32> to vector<7x256x256xf32>
    %add3A_282 = vector.broadcast %slice3A_248 : vector<7x1x256xf32> to vector<7x256x256xf32>
    %add3A_283 = arith.addf %add3A_281, %add3A_282 : vector<7x256x256xf32>
    %sub3A_284 = arith.subf %add3A_283, %mul3A_280 : vector<7x256x256xf32>
    %add3A_285 = arith.constant 9.99999997E-7 : f32
    %add3A_286 = vector.broadcast %add3A_285 : f32 to vector<7x256x256xf32>
    %add3A_287 = arith.addf %sub3A_284, %add3A_286 : vector<7x256x256xf32>
    %div3A_288 = arith.divf %mul3A_280, %add3A_287 : vector<7x256x256xf32>
    %gt3A_289 = arith.constant 5.000000e-01 : f32
    %gt3A_290 = vector.broadcast %gt3A_289 : f32 to vector<7x256x256xf32>
    %gt3A_291 = arith.cmpf ogt, %div3A_288, %gt3A_290 : vector<7x256x256xf32>
    %gt3A_292 = arith.constant 5.000000e-01 : f32
    %gt3A_293 = vector.broadcast %gt3A_292 : f32 to vector<7x1x256xf32>
    %gt3A_294 = arith.cmpf ogt, %scan3A_213, %gt3A_293 : vector<7x1x256xf32>
    %and3A = vector.broadcast %gt3A_294 : vector<7x1x256xi1> to vector<7x256x256xi1>
    %and3A_295 = arith.andi %gt3A_291, %and3A : vector<7x256x256xi1>
    %reduce_or3A = arith.constant 1.000000e+00 : f32
    %reduce_or3A_296 = arith.constant 0.000000e+00 : f32
    %reduce_or3A_297 = vector.broadcast %reduce_or3A : f32 to vector<7x256x256xf32>
    %reduce_or3A_298 = vector.broadcast %reduce_or3A_296 : f32 to vector<7x256x256xf32>
    %reduce_or3A_299 = arith.select %and3A_295, %reduce_or3A_297, %reduce_or3A_298 : vector<7x256x256xi1>, vector<7x256x256xf32>
    %reduce_or3A_300 = arith.constant dense<0xFF800000> : vector<7x256xf32>
    %reduce_or3A_301 = vector.multi_reduction <maximumf>, %reduce_or3A_299, %reduce_or3A_300 [2] : vector<7x256x256xf32> to vector<7x256xf32>
    %reduce_or3A_302 = arith.constant 0.000000e+00 : f32
    %reduce_or3A_303 = vector.broadcast %reduce_or3A_302 : f32 to vector<7x256xf32>
    %reduce_or3A_304 = arith.cmpf ogt, %reduce_or3A_301, %reduce_or3A_303 : vector<7x256xf32>
    %broadcast_in_dim3A_305 = vector.shape_cast %reduce_or3A_304 : vector<7x256xi1> to vector<7x256x1xi1>
    %convert_element_type3A_306 = arith.extui %broadcast_in_dim3A_305 : vector<7x256x1xi1> to vector<7x256x1xi32>
    %convert_element_type3A_307 = arith.sitofp %convert_element_type3A_306 : vector<7x256x1xi32> to vector<7x256x1xf32>
    %dot_general3A_308 = arith.constant dense<0.000000e+00> : vector<7x1x256xf32>
    %dot_general3A_309 = tpu.matmul %convert_element_type3A_307, %convert_element_type3A_139, %dot_general3A_308 {dimension_numbers = #tpu.dot_dimension_numbers<[1], [1], [2], [2], [0, 0, 0, 2, 1, 2], [0], [0]>, transpose_lhs_hint = false} : vector<7x256x1xf32>, vector<7x256x256xf32>, vector<7x1x256xf32> -> vector<7x1x256xf32>
    %gt3A_310 = arith.constant 5.000000e-01 : f32
    %gt3A_311 = vector.broadcast %gt3A_310 : f32 to vector<7x1x256xf32>
    %gt3A_312 = arith.cmpf ogt, %dot_general3A_309, %gt3A_311 : vector<7x1x256xf32>
    %jit3A_313 = arith.constant 0.000000e+00 : f32
    %broadcast_in_dim3A_314 = vector.broadcast %jit3A_313 : f32 to vector<7x1x256xf32>
    %select_n3A = arith.select %gt3A_312, %broadcast_in_dim3A_314, %convert_element_type3A_241 : vector<7x1x256xi1>, vector<7x1x256xf32>
    %min3A_315 = vector.broadcast %dot_general3A_229 : vector<7x256x1xf32> to vector<7x256x256xf32>
    %min3A_316 = vector.broadcast %slice3A_218 : vector<7x1x256xf32> to vector<7x256x256xf32>
    %min3A_317 = arith.minimumf %min3A_315, %min3A_316 : vector<7x256x256xf32>
    %max3A_318 = vector.broadcast %dot_general3A_223 : vector<7x256x1xf32> to vector<7x256x256xf32>
    %max3A_319 = vector.broadcast %slice3A_215 : vector<7x1x256xf32> to vector<7x256x256xf32>
    %max3A_320 = arith.maximumf %max3A_318, %max3A_319 : vector<7x256x256xf32>
    %sub3A_321 = arith.subf %min3A_317, %max3A_320 : vector<7x256x256xf32>
    %jit3A_322 = arith.constant 0.000000e+00 : f32
    %max3A_323 = vector.broadcast %jit3A_322 : f32 to vector<7x256x256xf32>
    %max3A_324 = arith.maximumf %max3A_323, %sub3A_321 : vector<7x256x256xf32>
    %min3A_325 = vector.broadcast %dot_general3A_231 : vector<7x256x1xf32> to vector<7x256x256xf32>
    %min3A_326 = vector.broadcast %slice3A_219 : vector<7x1x256xf32> to vector<7x256x256xf32>
    %min3A_327 = arith.minimumf %min3A_325, %min3A_326 : vector<7x256x256xf32>
    %max3A_328 = vector.broadcast %dot_general3A_225 : vector<7x256x1xf32> to vector<7x256x256xf32>
    %max3A_329 = vector.broadcast %slice3A_216 : vector<7x1x256xf32> to vector<7x256x256xf32>
    %max3A_330 = arith.maximumf %max3A_328, %max3A_329 : vector<7x256x256xf32>
    %sub3A_331 = arith.subf %min3A_327, %max3A_330 : vector<7x256x256xf32>
    %jit3A_332 = arith.constant 0.000000e+00 : f32
    %max3A_333 = vector.broadcast %jit3A_332 : f32 to vector<7x256x256xf32>
    %max3A_334 = arith.maximumf %max3A_333, %sub3A_331 : vector<7x256x256xf32>
    %min3A_335 = vector.broadcast %dot_general3A_233 : vector<7x256x1xf32> to vector<7x256x256xf32>
    %min3A_336 = vector.broadcast %slice3A_220 : vector<7x1x256xf32> to vector<7x256x256xf32>
    %min3A_337 = arith.minimumf %min3A_335, %min3A_336 : vector<7x256x256xf32>
    %max3A_338 = vector.broadcast %dot_general3A_227 : vector<7x256x1xf32> to vector<7x256x256xf32>
    %max3A_339 = vector.broadcast %slice3A_217 : vector<7x1x256xf32> to vector<7x256x256xf32>
    %max3A_340 = arith.maximumf %max3A_338, %max3A_339 : vector<7x256x256xf32>
    %sub3A_341 = arith.subf %min3A_337, %max3A_340 : vector<7x256x256xf32>
    %jit3A_342 = arith.constant 0.000000e+00 : f32
    %max3A_343 = vector.broadcast %jit3A_342 : f32 to vector<7x256x256xf32>
    %max3A_344 = arith.maximumf %max3A_343, %sub3A_341 : vector<7x256x256xf32>
    %mul3A_345 = arith.mulf %max3A_324, %max3A_334 : vector<7x256x256xf32>
    %mul3A_346 = arith.mulf %mul3A_345, %max3A_344 : vector<7x256x256xf32>
    %add3A_347 = vector.broadcast %dot_general3A_235 : vector<7x256x1xf32> to vector<7x256x256xf32>
    %add3A_348 = vector.broadcast %slice3A_221 : vector<7x1x256xf32> to vector<7x256x256xf32>
    %add3A_349 = arith.addf %add3A_347, %add3A_348 : vector<7x256x256xf32>
    %sub3A_350 = arith.subf %add3A_349, %mul3A_346 : vector<7x256x256xf32>
    %add3A_351 = arith.constant 9.99999997E-7 : f32
    %add3A_352 = vector.broadcast %add3A_351 : f32 to vector<7x256x256xf32>
    %add3A_353 = arith.addf %sub3A_350, %add3A_352 : vector<7x256x256xf32>
    %div3A_354 = arith.divf %mul3A_346, %add3A_353 : vector<7x256x256xf32>
    %swap3A_355 = arith.constant 0 : index
    %swap3A_356 = arith.constant 0 : index
    %swap3A_357 = arith.constant 0 : index
    %swap3A_358 = vector.load %arg5[%swap3A_355, %swap3A_356, %swap3A_357] : memref<7x256x256xf32, #tpu.memory_space<vmem>>, vector<7x256x256xf32>
    tpu.vector_store %arg5[%swap3A_355, %swap3A_356, %swap3A_357], %div3A_354 {strides = array<i32>} : memref<7x256x256xf32, #tpu.memory_space<vmem>>, vector<7x256x256xf32>,
    %broadcast_in_dim3A_359 = arith.constant 0.000000e+00 : f32
    %broadcast_in_dim3A_360 = vector.broadcast %broadcast_in_dim3A_359 : f32 to vector<7x1x256xf32>
    %scan3A_361 = arith.constant 0 : i32
    %scan3A_362 = arith.constant 256 : i32
    %scan3A_363 = arith.addi %scan3A_361, %scan3A_362 : i32
    %scan3A_364 = arith.constant 1 : i32
    %scan3A_365 = scf.for %scan3A_1314 = %scan3A_361 to %scan3A_363 step %scan3A_364 iter_args(%scan3A_1315 = %broadcast_in_dim3A_360) -> (vector<7x1x256xf32>)  : i32 {
      %get3A_1316 = arith.constant 0 : index
      %get3A_1317 = arith.index_cast %scan3A_1314 : i32 to index
      %get3A_1318 = arith.constant 0 : index
      %get3A_1319 = vector.load %arg5[%get3A_1316, %get3A_1317, %get3A_1318] : memref<7x256x256xf32, #tpu.memory_space<vmem>>, vector<7x1x256xf32>
      %mul3A_1320 = arith.mulf %get3A_1319, %scan3A_1315 : vector<7x1x256xf32>
      %reduce_max3A = arith.constant dense<0xFF800000> : vector<7x1xf32>
      %reduce_max3A_1321 = vector.multi_reduction <maximumf>, %mul3A_1320, %reduce_max3A [2] : vector<7x1x256xf32> to vector<7x1xf32>
      %broadcast_in_dim3A_1322 = vector.shape_cast %reduce_max3A_1321 : vector<7x1xf32> to vector<7x1x1xf32>
      %le3A = arith.constant 5.000000e-01 : f32
      %le3A_1323 = vector.broadcast %le3A : f32 to vector<7x1x1xf32>
      %le3A_1324 = arith.cmpf ole, %broadcast_in_dim3A_1322, %le3A_1323 : vector<7x1x1xf32>
      %convert_element_type3A_1325 = arith.extui %le3A_1324 : vector<7x1x1xi1> to vector<7x1x1xi32>
      %convert_element_type3A_1326 = arith.sitofp %convert_element_type3A_1325 : vector<7x1x1xi32> to vector<7x1x1xf32>
      %eq3A_1327 = vector.broadcast %scan3A_1314 : i32 to vector<7x1x256xi32>
      %eq3A_1328 = arith.cmpi eq, %iota3A_140, %eq3A_1327 : vector<7x1x256xi32>
      %convert_element_type3A_1329 = arith.extui %eq3A_1328 : vector<7x1x256xi1> to vector<7x1x256xi32>
      %convert_element_type3A_1330 = arith.sitofp %convert_element_type3A_1329 : vector<7x1x256xi32> to vector<7x1x256xf32>
      %mul3A_1331 = arith.mulf %convert_element_type3A_1330, %select_n3A : vector<7x1x256xf32>
      %mul3A_1332 = vector.broadcast %convert_element_type3A_1326 : vector<7x1x1xf32> to vector<7x1x256xf32>
      %mul3A_1333 = arith.mulf %mul3A_1331, %mul3A_1332 : vector<7x1x256xf32>
      %add3A_1334 = arith.addf %scan3A_1315, %mul3A_1333 : vector<7x1x256xf32>
      scf.yield %add3A_1334 : vector<7x1x256xf32>
    }
    %scan3A_366 = arith.constant 256 : i32
    %slice3A_367 = vector.extract_strided_slice %sub3A {offsets = [0, 0, 512], sizes = [7, 1, 256], strides = [1, 1, 1]} : vector<7x1x2048xf32> to vector<7x1x256xf32>
    %slice3A_368 = vector.extract_strided_slice %sub3A_119 {offsets = [0, 0, 512], sizes = [7, 1, 256], strides = [1, 1, 1]} : vector<7x1x2048xf32> to vector<7x1x256xf32>
    %slice3A_369 = vector.extract_strided_slice %sub3A_123 {offsets = [0, 0, 512], sizes = [7, 1, 256], strides = [1, 1, 1]} : vector<7x1x2048xf32> to vector<7x1x256xf32>
    %slice3A_370 = vector.extract_strided_slice %add3A_127 {offsets = [0, 0, 512], sizes = [7, 1, 256], strides = [1, 1, 1]} : vector<7x1x2048xf32> to vector<7x1x256xf32>
    %slice3A_371 = vector.extract_strided_slice %add3A_131 {offsets = [0, 0, 512], sizes = [7, 1, 256], strides = [1, 1, 1]} : vector<7x1x2048xf32> to vector<7x1x256xf32>
    %slice3A_372 = vector.extract_strided_slice %add3A_135 {offsets = [0, 0, 512], sizes = [7, 1, 256], strides = [1, 1, 1]} : vector<7x1x2048xf32> to vector<7x1x256xf32>
    %slice3A_373 = vector.extract_strided_slice %mul3A_137 {offsets = [0, 0, 512], sizes = [7, 1, 256], strides = [1, 1, 1]} : vector<7x1x2048xf32> to vector<7x1x256xf32>
    %dot_general3A_374 = arith.constant dense<0.000000e+00> : vector<7x256x1xf32>
    %dot_general3A_375 = tpu.matmul %convert_element_type3A_139, %slice3A_367, %dot_general3A_374 {dimension_numbers = #tpu.dot_dimension_numbers<[2], [2], [1], [1], [0, 0, 0, 1, 1, 1], [0], [0]>, transpose_lhs_hint = false} : vector<7x256x256xf32>, vector<7x1x256xf32>, vector<7x256x1xf32> -> vector<7x256x1xf32>
    %dot_general3A_376 = arith.constant dense<0.000000e+00> : vector<7x256x1xf32>
    %dot_general3A_377 = tpu.matmul %convert_element_type3A_139, %slice3A_368, %dot_general3A_376 {dimension_numbers = #tpu.dot_dimension_numbers<[2], [2], [1], [1], [0, 0, 0, 1, 1, 1], [0], [0]>, transpose_lhs_hint = false} : vector<7x256x256xf32>, vector<7x1x256xf32>, vector<7x256x1xf32> -> vector<7x256x1xf32>
    %dot_general3A_378 = arith.constant dense<0.000000e+00> : vector<7x256x1xf32>
    %dot_general3A_379 = tpu.matmul %convert_element_type3A_139, %slice3A_369, %dot_general3A_378 {dimension_numbers = #tpu.dot_dimension_numbers<[2], [2], [1], [1], [0, 0, 0, 1, 1, 1], [0], [0]>, transpose_lhs_hint = false} : vector<7x256x256xf32>, vector<7x1x256xf32>, vector<7x256x1xf32> -> vector<7x256x1xf32>
    %dot_general3A_380 = arith.constant dense<0.000000e+00> : vector<7x256x1xf32>
    %dot_general3A_381 = tpu.matmul %convert_element_type3A_139, %slice3A_370, %dot_general3A_380 {dimension_numbers = #tpu.dot_dimension_numbers<[2], [2], [1], [1], [0, 0, 0, 1, 1, 1], [0], [0]>, transpose_lhs_hint = false} : vector<7x256x256xf32>, vector<7x1x256xf32>, vector<7x256x1xf32> -> vector<7x256x1xf32>
    %dot_general3A_382 = arith.constant dense<0.000000e+00> : vector<7x256x1xf32>
    %dot_general3A_383 = tpu.matmul %convert_element_type3A_139, %slice3A_371, %dot_general3A_382 {dimension_numbers = #tpu.dot_dimension_numbers<[2], [2], [1], [1], [0, 0, 0, 1, 1, 1], [0], [0]>, transpose_lhs_hint = false} : vector<7x256x256xf32>, vector<7x1x256xf32>, vector<7x256x1xf32> -> vector<7x256x1xf32>
    %dot_general3A_384 = arith.constant dense<0.000000e+00> : vector<7x256x1xf32>
    %dot_general3A_385 = tpu.matmul %convert_element_type3A_139, %slice3A_372, %dot_general3A_384 {dimension_numbers = #tpu.dot_dimension_numbers<[2], [2], [1], [1], [0, 0, 0, 1, 1, 1], [0], [0]>, transpose_lhs_hint = false} : vector<7x256x256xf32>, vector<7x1x256xf32>, vector<7x256x1xf32> -> vector<7x256x1xf32>
    %dot_general3A_386 = arith.constant dense<0.000000e+00> : vector<7x256x1xf32>
    %dot_general3A_387 = tpu.matmul %convert_element_type3A_139, %slice3A_373, %dot_general3A_386 {dimension_numbers = #tpu.dot_dimension_numbers<[2], [2], [1], [1], [0, 0, 0, 1, 1, 1], [0], [0]>, transpose_lhs_hint = false} : vector<7x256x256xf32>, vector<7x1x256xf32>, vector<7x256x1xf32> -> vector<7x256x1xf32>
    %slice3A_388 = vector.extract_strided_slice %get3A_2 {offsets = [0, 0, 512], sizes = [7, 1, 256], strides = [1, 1, 1]} : vector<7x1x2048xf32> to vector<7x1x256xf32>
    %gt3A_389 = arith.constant 0.000000e+00 : f32
    %gt3A_390 = vector.broadcast %gt3A_389 : f32 to vector<7x1x256xf32>
    %gt3A_391 = arith.cmpf ogt, %slice3A_388, %gt3A_390 : vector<7x1x256xf32>
    %convert_element_type3A_392 = arith.extui %gt3A_391 : vector<7x1x256xi1> to vector<7x1x256xi32>
    %convert_element_type3A_393 = arith.sitofp %convert_element_type3A_392 : vector<7x1x256xi32> to vector<7x1x256xf32>
    %slice3A_394 = vector.extract_strided_slice %sub3A {offsets = [0, 0, 0], sizes = [7, 1, 512], strides = [1, 1, 1]} : vector<7x1x2048xf32> to vector<7x1x512xf32>
    %slice3A_395 = vector.extract_strided_slice %sub3A_119 {offsets = [0, 0, 0], sizes = [7, 1, 512], strides = [1, 1, 1]} : vector<7x1x2048xf32> to vector<7x1x512xf32>
    %slice3A_396 = vector.extract_strided_slice %sub3A_123 {offsets = [0, 0, 0], sizes = [7, 1, 512], strides = [1, 1, 1]} : vector<7x1x2048xf32> to vector<7x1x512xf32>
    %slice3A_397 = vector.extract_strided_slice %add3A_127 {offsets = [0, 0, 0], sizes = [7, 1, 512], strides = [1, 1, 1]} : vector<7x1x2048xf32> to vector<7x1x512xf32>
    %slice3A_398 = vector.extract_strided_slice %add3A_131 {offsets = [0, 0, 0], sizes = [7, 1, 512], strides = [1, 1, 1]} : vector<7x1x2048xf32> to vector<7x1x512xf32>
    %slice3A_399 = vector.extract_strided_slice %add3A_135 {offsets = [0, 0, 0], sizes = [7, 1, 512], strides = [1, 1, 1]} : vector<7x1x2048xf32> to vector<7x1x512xf32>
    %slice3A_400 = vector.extract_strided_slice %mul3A_137 {offsets = [0, 0, 0], sizes = [7, 1, 512], strides = [1, 1, 1]} : vector<7x1x2048xf32> to vector<7x1x512xf32>
    %concatenate3A_401 = tpu.concatenate %scan3A_213, %scan3A_365 in 2 : vector<7x1x256xf32>, vector<7x1x256xf32> -> vector<7x1x512xf32>
    %min3A_402 = vector.broadcast %dot_general3A_381 : vector<7x256x1xf32> to vector<7x256x512xf32>
    %min3A_403 = vector.broadcast %slice3A_397 : vector<7x1x512xf32> to vector<7x256x512xf32>
    %min3A_404 = arith.minimumf %min3A_402, %min3A_403 : vector<7x256x512xf32>
    %max3A_405 = vector.broadcast %dot_general3A_375 : vector<7x256x1xf32> to vector<7x256x512xf32>
    %max3A_406 = vector.broadcast %slice3A_394 : vector<7x1x512xf32> to vector<7x256x512xf32>
    %max3A_407 = arith.maximumf %max3A_405, %max3A_406 : vector<7x256x512xf32>
    %sub3A_408 = arith.subf %min3A_404, %max3A_407 : vector<7x256x512xf32>
    %jit3A_409 = arith.constant 0.000000e+00 : f32
    %max3A_410 = vector.broadcast %jit3A_409 : f32 to vector<7x256x512xf32>
    %max3A_411 = arith.maximumf %max3A_410, %sub3A_408 : vector<7x256x512xf32>
    %min3A_412 = vector.broadcast %dot_general3A_383 : vector<7x256x1xf32> to vector<7x256x512xf32>
    %min3A_413 = vector.broadcast %slice3A_398 : vector<7x1x512xf32> to vector<7x256x512xf32>
    %min3A_414 = arith.minimumf %min3A_412, %min3A_413 : vector<7x256x512xf32>
    %max3A_415 = vector.broadcast %dot_general3A_377 : vector<7x256x1xf32> to vector<7x256x512xf32>
    %max3A_416 = vector.broadcast %slice3A_395 : vector<7x1x512xf32> to vector<7x256x512xf32>
    %max3A_417 = arith.maximumf %max3A_415, %max3A_416 : vector<7x256x512xf32>
    %sub3A_418 = arith.subf %min3A_414, %max3A_417 : vector<7x256x512xf32>
    %jit3A_419 = arith.constant 0.000000e+00 : f32
    %max3A_420 = vector.broadcast %jit3A_419 : f32 to vector<7x256x512xf32>
    %max3A_421 = arith.maximumf %max3A_420, %sub3A_418 : vector<7x256x512xf32>
    %min3A_422 = vector.broadcast %dot_general3A_385 : vector<7x256x1xf32> to vector<7x256x512xf32>
    %min3A_423 = vector.broadcast %slice3A_399 : vector<7x1x512xf32> to vector<7x256x512xf32>
    %min3A_424 = arith.minimumf %min3A_422, %min3A_423 : vector<7x256x512xf32>
    %max3A_425 = vector.broadcast %dot_general3A_379 : vector<7x256x1xf32> to vector<7x256x512xf32>
    %max3A_426 = vector.broadcast %slice3A_396 : vector<7x1x512xf32> to vector<7x256x512xf32>
    %max3A_427 = arith.maximumf %max3A_425, %max3A_426 : vector<7x256x512xf32>
    %sub3A_428 = arith.subf %min3A_424, %max3A_427 : vector<7x256x512xf32>
    %jit3A_429 = arith.constant 0.000000e+00 : f32
    %max3A_430 = vector.broadcast %jit3A_429 : f32 to vector<7x256x512xf32>
    %max3A_431 = arith.maximumf %max3A_430, %sub3A_428 : vector<7x256x512xf32>
    %mul3A_432 = arith.mulf %max3A_411, %max3A_421 : vector<7x256x512xf32>
    %mul3A_433 = arith.mulf %mul3A_432, %max3A_431 : vector<7x256x512xf32>
    %add3A_434 = vector.broadcast %dot_general3A_387 : vector<7x256x1xf32> to vector<7x256x512xf32>
    %add3A_435 = vector.broadcast %slice3A_400 : vector<7x1x512xf32> to vector<7x256x512xf32>
    %add3A_436 = arith.addf %add3A_434, %add3A_435 : vector<7x256x512xf32>
    %sub3A_437 = arith.subf %add3A_436, %mul3A_433 : vector<7x256x512xf32>
    %add3A_438 = arith.constant 9.99999997E-7 : f32
    %add3A_439 = vector.broadcast %add3A_438 : f32 to vector<7x256x512xf32>
    %add3A_440 = arith.addf %sub3A_437, %add3A_439 : vector<7x256x512xf32>
    %div3A_441 = arith.divf %mul3A_433, %add3A_440 : vector<7x256x512xf32>
    %gt3A_442 = arith.constant 5.000000e-01 : f32
    %gt3A_443 = vector.broadcast %gt3A_442 : f32 to vector<7x256x512xf32>
    %gt3A_444 = arith.cmpf ogt, %div3A_441, %gt3A_443 : vector<7x256x512xf32>
    %gt3A_445 = arith.constant 5.000000e-01 : f32
    %gt3A_446 = vector.broadcast %gt3A_445 : f32 to vector<7x1x512xf32>
    %gt3A_447 = arith.cmpf ogt, %concatenate3A_401, %gt3A_446 : vector<7x1x512xf32>
    %and3A_448 = vector.broadcast %gt3A_447 : vector<7x1x512xi1> to vector<7x256x512xi1>
    %and3A_449 = arith.andi %gt3A_444, %and3A_448 : vector<7x256x512xi1>
    %reduce_or3A_450 = arith.constant 1.000000e+00 : f32
    %reduce_or3A_451 = arith.constant 0.000000e+00 : f32
    %reduce_or3A_452 = vector.broadcast %reduce_or3A_450 : f32 to vector<7x256x512xf32>
    %reduce_or3A_453 = vector.broadcast %reduce_or3A_451 : f32 to vector<7x256x512xf32>
    %reduce_or3A_454 = arith.select %and3A_449, %reduce_or3A_452, %reduce_or3A_453 : vector<7x256x512xi1>, vector<7x256x512xf32>
    %reduce_or3A_455 = arith.constant dense<0xFF800000> : vector<7x256xf32>
    %reduce_or3A_456 = vector.multi_reduction <maximumf>, %reduce_or3A_454, %reduce_or3A_455 [2] : vector<7x256x512xf32> to vector<7x256xf32>
    %reduce_or3A_457 = arith.constant 0.000000e+00 : f32
    %reduce_or3A_458 = vector.broadcast %reduce_or3A_457 : f32 to vector<7x256xf32>
    %reduce_or3A_459 = arith.cmpf ogt, %reduce_or3A_456, %reduce_or3A_458 : vector<7x256xf32>
    %broadcast_in_dim3A_460 = vector.shape_cast %reduce_or3A_459 : vector<7x256xi1> to vector<7x256x1xi1>
    %convert_element_type3A_461 = arith.extui %broadcast_in_dim3A_460 : vector<7x256x1xi1> to vector<7x256x1xi32>
    %convert_element_type3A_462 = arith.sitofp %convert_element_type3A_461 : vector<7x256x1xi32> to vector<7x256x1xf32>
    %dot_general3A_463 = arith.constant dense<0.000000e+00> : vector<7x1x256xf32>
    %dot_general3A_464 = tpu.matmul %convert_element_type3A_462, %convert_element_type3A_139, %dot_general3A_463 {dimension_numbers = #tpu.dot_dimension_numbers<[1], [1], [2], [2], [0, 0, 0, 2, 1, 2], [0], [0]>, transpose_lhs_hint = false} : vector<7x256x1xf32>, vector<7x256x256xf32>, vector<7x1x256xf32> -> vector<7x1x256xf32>
    %gt3A_465 = arith.constant 5.000000e-01 : f32
    %gt3A_466 = vector.broadcast %gt3A_465 : f32 to vector<7x1x256xf32>
    %gt3A_467 = arith.cmpf ogt, %dot_general3A_464, %gt3A_466 : vector<7x1x256xf32>
    %jit3A_468 = arith.constant 0.000000e+00 : f32
    %broadcast_in_dim3A_469 = vector.broadcast %jit3A_468 : f32 to vector<7x1x256xf32>
    %select_n3A_470 = arith.select %gt3A_467, %broadcast_in_dim3A_469, %convert_element_type3A_393 : vector<7x1x256xi1>, vector<7x1x256xf32>
    %min3A_471 = vector.broadcast %dot_general3A_381 : vector<7x256x1xf32> to vector<7x256x256xf32>
    %min3A_472 = vector.broadcast %slice3A_370 : vector<7x1x256xf32> to vector<7x256x256xf32>
    %min3A_473 = arith.minimumf %min3A_471, %min3A_472 : vector<7x256x256xf32>
    %max3A_474 = vector.broadcast %dot_general3A_375 : vector<7x256x1xf32> to vector<7x256x256xf32>
    %max3A_475 = vector.broadcast %slice3A_367 : vector<7x1x256xf32> to vector<7x256x256xf32>
    %max3A_476 = arith.maximumf %max3A_474, %max3A_475 : vector<7x256x256xf32>
    %sub3A_477 = arith.subf %min3A_473, %max3A_476 : vector<7x256x256xf32>
    %jit3A_478 = arith.constant 0.000000e+00 : f32
    %max3A_479 = vector.broadcast %jit3A_478 : f32 to vector<7x256x256xf32>
    %max3A_480 = arith.maximumf %max3A_479, %sub3A_477 : vector<7x256x256xf32>
    %min3A_481 = vector.broadcast %dot_general3A_383 : vector<7x256x1xf32> to vector<7x256x256xf32>
    %min3A_482 = vector.broadcast %slice3A_371 : vector<7x1x256xf32> to vector<7x256x256xf32>
    %min3A_483 = arith.minimumf %min3A_481, %min3A_482 : vector<7x256x256xf32>
    %max3A_484 = vector.broadcast %dot_general3A_377 : vector<7x256x1xf32> to vector<7x256x256xf32>
    %max3A_485 = vector.broadcast %slice3A_368 : vector<7x1x256xf32> to vector<7x256x256xf32>
    %max3A_486 = arith.maximumf %max3A_484, %max3A_485 : vector<7x256x256xf32>
    %sub3A_487 = arith.subf %min3A_483, %max3A_486 : vector<7x256x256xf32>
    %jit3A_488 = arith.constant 0.000000e+00 : f32
    %max3A_489 = vector.broadcast %jit3A_488 : f32 to vector<7x256x256xf32>
    %max3A_490 = arith.maximumf %max3A_489, %sub3A_487 : vector<7x256x256xf32>
    %min3A_491 = vector.broadcast %dot_general3A_385 : vector<7x256x1xf32> to vector<7x256x256xf32>
    %min3A_492 = vector.broadcast %slice3A_372 : vector<7x1x256xf32> to vector<7x256x256xf32>
    %min3A_493 = arith.minimumf %min3A_491, %min3A_492 : vector<7x256x256xf32>
    %max3A_494 = vector.broadcast %dot_general3A_379 : vector<7x256x1xf32> to vector<7x256x256xf32>
    %max3A_495 = vector.broadcast %slice3A_369 : vector<7x1x256xf32> to vector<7x256x256xf32>
    %max3A_496 = arith.maximumf %max3A_494, %max3A_495 : vector<7x256x256xf32>
    %sub3A_497 = arith.subf %min3A_493, %max3A_496 : vector<7x256x256xf32>
    %jit3A_498 = arith.constant 0.000000e+00 : f32
    %max3A_499 = vector.broadcast %jit3A_498 : f32 to vector<7x256x256xf32>
    %max3A_500 = arith.maximumf %max3A_499, %sub3A_497 : vector<7x256x256xf32>
    %mul3A_501 = arith.mulf %max3A_480, %max3A_490 : vector<7x256x256xf32>
    %mul3A_502 = arith.mulf %mul3A_501, %max3A_500 : vector<7x256x256xf32>
    %add3A_503 = vector.broadcast %dot_general3A_387 : vector<7x256x1xf32> to vector<7x256x256xf32>
    %add3A_504 = vector.broadcast %slice3A_373 : vector<7x1x256xf32> to vector<7x256x256xf32>
    %add3A_505 = arith.addf %add3A_503, %add3A_504 : vector<7x256x256xf32>
    %sub3A_506 = arith.subf %add3A_505, %mul3A_502 : vector<7x256x256xf32>
    %add3A_507 = arith.constant 9.99999997E-7 : f32
    %add3A_508 = vector.broadcast %add3A_507 : f32 to vector<7x256x256xf32>
    %add3A_509 = arith.addf %sub3A_506, %add3A_508 : vector<7x256x256xf32>
    %div3A_510 = arith.divf %mul3A_502, %add3A_509 : vector<7x256x256xf32>
    %swap3A_511 = arith.constant 0 : index
    %swap3A_512 = arith.constant 0 : index
    %swap3A_513 = arith.constant 0 : index
    %swap3A_514 = vector.load %arg5[%swap3A_511, %swap3A_512, %swap3A_513] : memref<7x256x256xf32, #tpu.memory_space<vmem>>, vector<7x256x256xf32>
    tpu.vector_store %arg5[%swap3A_511, %swap3A_512, %swap3A_513], %div3A_510 {strides = array<i32>} : memref<7x256x256xf32, #tpu.memory_space<vmem>>, vector<7x256x256xf32>,
    %broadcast_in_dim3A_515 = arith.constant 0.000000e+00 : f32
    %broadcast_in_dim3A_516 = vector.broadcast %broadcast_in_dim3A_515 : f32 to vector<7x1x256xf32>
    %scan3A_517 = arith.constant 0 : i32
    %scan3A_518 = arith.constant 256 : i32
    %scan3A_519 = arith.addi %scan3A_517, %scan3A_518 : i32
    %scan3A_520 = arith.constant 1 : i32
    %scan3A_521 = scf.for %scan3A_1314 = %scan3A_517 to %scan3A_519 step %scan3A_520 iter_args(%scan3A_1315 = %broadcast_in_dim3A_516) -> (vector<7x1x256xf32>)  : i32 {
      %get3A_1316 = arith.constant 0 : index
      %get3A_1317 = arith.index_cast %scan3A_1314 : i32 to index
      %get3A_1318 = arith.constant 0 : index
      %get3A_1319 = vector.load %arg5[%get3A_1316, %get3A_1317, %get3A_1318] : memref<7x256x256xf32, #tpu.memory_space<vmem>>, vector<7x1x256xf32>
      %mul3A_1320 = arith.mulf %get3A_1319, %scan3A_1315 : vector<7x1x256xf32>
      %reduce_max3A = arith.constant dense<0xFF800000> : vector<7x1xf32>
      %reduce_max3A_1321 = vector.multi_reduction <maximumf>, %mul3A_1320, %reduce_max3A [2] : vector<7x1x256xf32> to vector<7x1xf32>
      %broadcast_in_dim3A_1322 = vector.shape_cast %reduce_max3A_1321 : vector<7x1xf32> to vector<7x1x1xf32>
      %le3A = arith.constant 5.000000e-01 : f32
      %le3A_1323 = vector.broadcast %le3A : f32 to vector<7x1x1xf32>
      %le3A_1324 = arith.cmpf ole, %broadcast_in_dim3A_1322, %le3A_1323 : vector<7x1x1xf32>
      %convert_element_type3A_1325 = arith.extui %le3A_1324 : vector<7x1x1xi1> to vector<7x1x1xi32>
      %convert_element_type3A_1326 = arith.sitofp %convert_element_type3A_1325 : vector<7x1x1xi32> to vector<7x1x1xf32>
      %eq3A_1327 = vector.broadcast %scan3A_1314 : i32 to vector<7x1x256xi32>
      %eq3A_1328 = arith.cmpi eq, %iota3A_140, %eq3A_1327 : vector<7x1x256xi32>
      %convert_element_type3A_1329 = arith.extui %eq3A_1328 : vector<7x1x256xi1> to vector<7x1x256xi32>
      %convert_element_type3A_1330 = arith.sitofp %convert_element_type3A_1329 : vector<7x1x256xi32> to vector<7x1x256xf32>
      %mul3A_1331 = arith.mulf %convert_element_type3A_1330, %select_n3A_470 : vector<7x1x256xf32>
      %mul3A_1332 = vector.broadcast %convert_element_type3A_1326 : vector<7x1x1xf32> to vector<7x1x256xf32>
      %mul3A_1333 = arith.mulf %mul3A_1331, %mul3A_1332 : vector<7x1x256xf32>
      %add3A_1334 = arith.addf %scan3A_1315, %mul3A_1333 : vector<7x1x256xf32>
      scf.yield %add3A_1334 : vector<7x1x256xf32>
    }
    %scan3A_522 = arith.constant 256 : i32
    %slice3A_523 = vector.extract_strided_slice %sub3A {offsets = [0, 0, 768], sizes = [7, 1, 256], strides = [1, 1, 1]} : vector<7x1x2048xf32> to vector<7x1x256xf32>
    %slice3A_524 = vector.extract_strided_slice %sub3A_119 {offsets = [0, 0, 768], sizes = [7, 1, 256], strides = [1, 1, 1]} : vector<7x1x2048xf32> to vector<7x1x256xf32>
    %slice3A_525 = vector.extract_strided_slice %sub3A_123 {offsets = [0, 0, 768], sizes = [7, 1, 256], strides = [1, 1, 1]} : vector<7x1x2048xf32> to vector<7x1x256xf32>
    %slice3A_526 = vector.extract_strided_slice %add3A_127 {offsets = [0, 0, 768], sizes = [7, 1, 256], strides = [1, 1, 1]} : vector<7x1x2048xf32> to vector<7x1x256xf32>
    %slice3A_527 = vector.extract_strided_slice %add3A_131 {offsets = [0, 0, 768], sizes = [7, 1, 256], strides = [1, 1, 1]} : vector<7x1x2048xf32> to vector<7x1x256xf32>
    %slice3A_528 = vector.extract_strided_slice %add3A_135 {offsets = [0, 0, 768], sizes = [7, 1, 256], strides = [1, 1, 1]} : vector<7x1x2048xf32> to vector<7x1x256xf32>
    %slice3A_529 = vector.extract_strided_slice %mul3A_137 {offsets = [0, 0, 768], sizes = [7, 1, 256], strides = [1, 1, 1]} : vector<7x1x2048xf32> to vector<7x1x256xf32>
    %dot_general3A_530 = arith.constant dense<0.000000e+00> : vector<7x256x1xf32>
    %dot_general3A_531 = tpu.matmul %convert_element_type3A_139, %slice3A_523, %dot_general3A_530 {dimension_numbers = #tpu.dot_dimension_numbers<[2], [2], [1], [1], [0, 0, 0, 1, 1, 1], [0], [0]>, transpose_lhs_hint = false} : vector<7x256x256xf32>, vector<7x1x256xf32>, vector<7x256x1xf32> -> vector<7x256x1xf32>
    %dot_general3A_532 = arith.constant dense<0.000000e+00> : vector<7x256x1xf32>
    %dot_general3A_533 = tpu.matmul %convert_element_type3A_139, %slice3A_524, %dot_general3A_532 {dimension_numbers = #tpu.dot_dimension_numbers<[2], [2], [1], [1], [0, 0, 0, 1, 1, 1], [0], [0]>, transpose_lhs_hint = false} : vector<7x256x256xf32>, vector<7x1x256xf32>, vector<7x256x1xf32> -> vector<7x256x1xf32>
    %dot_general3A_534 = arith.constant dense<0.000000e+00> : vector<7x256x1xf32>
    %dot_general3A_535 = tpu.matmul %convert_element_type3A_139, %slice3A_525, %dot_general3A_534 {dimension_numbers = #tpu.dot_dimension_numbers<[2], [2], [1], [1], [0, 0, 0, 1, 1, 1], [0], [0]>, transpose_lhs_hint = false} : vector<7x256x256xf32>, vector<7x1x256xf32>, vector<7x256x1xf32> -> vector<7x256x1xf32>
    %dot_general3A_536 = arith.constant dense<0.000000e+00> : vector<7x256x1xf32>
    %dot_general3A_537 = tpu.matmul %convert_element_type3A_139, %slice3A_526, %dot_general3A_536 {dimension_numbers = #tpu.dot_dimension_numbers<[2], [2], [1], [1], [0, 0, 0, 1, 1, 1], [0], [0]>, transpose_lhs_hint = false} : vector<7x256x256xf32>, vector<7x1x256xf32>, vector<7x256x1xf32> -> vector<7x256x1xf32>
    %dot_general3A_538 = arith.constant dense<0.000000e+00> : vector<7x256x1xf32>
    %dot_general3A_539 = tpu.matmul %convert_element_type3A_139, %slice3A_527, %dot_general3A_538 {dimension_numbers = #tpu.dot_dimension_numbers<[2], [2], [1], [1], [0, 0, 0, 1, 1, 1], [0], [0]>, transpose_lhs_hint = false} : vector<7x256x256xf32>, vector<7x1x256xf32>, vector<7x256x1xf32> -> vector<7x256x1xf32>
    %dot_general3A_540 = arith.constant dense<0.000000e+00> : vector<7x256x1xf32>
    %dot_general3A_541 = tpu.matmul %convert_element_type3A_139, %slice3A_528, %dot_general3A_540 {dimension_numbers = #tpu.dot_dimension_numbers<[2], [2], [1], [1], [0, 0, 0, 1, 1, 1], [0], [0]>, transpose_lhs_hint = false} : vector<7x256x256xf32>, vector<7x1x256xf32>, vector<7x256x1xf32> -> vector<7x256x1xf32>
    %dot_general3A_542 = arith.constant dense<0.000000e+00> : vector<7x256x1xf32>
    %dot_general3A_543 = tpu.matmul %convert_element_type3A_139, %slice3A_529, %dot_general3A_542 {dimension_numbers = #tpu.dot_dimension_numbers<[2], [2], [1], [1], [0, 0, 0, 1, 1, 1], [0], [0]>, transpose_lhs_hint = false} : vector<7x256x256xf32>, vector<7x1x256xf32>, vector<7x256x1xf32> -> vector<7x256x1xf32>
    %slice3A_544 = vector.extract_strided_slice %get3A_2 {offsets = [0, 0, 768], sizes = [7, 1, 256], strides = [1, 1, 1]} : vector<7x1x2048xf32> to vector<7x1x256xf32>
    %gt3A_545 = arith.constant 0.000000e+00 : f32
    %gt3A_546 = vector.broadcast %gt3A_545 : f32 to vector<7x1x256xf32>
    %gt3A_547 = arith.cmpf ogt, %slice3A_544, %gt3A_546 : vector<7x1x256xf32>
    %convert_element_type3A_548 = arith.extui %gt3A_547 : vector<7x1x256xi1> to vector<7x1x256xi32>
    %convert_element_type3A_549 = arith.sitofp %convert_element_type3A_548 : vector<7x1x256xi32> to vector<7x1x256xf32>
    %slice3A_550 = vector.extract_strided_slice %sub3A {offsets = [0, 0, 0], sizes = [7, 1, 768], strides = [1, 1, 1]} : vector<7x1x2048xf32> to vector<7x1x768xf32>
    %slice3A_551 = vector.extract_strided_slice %sub3A_119 {offsets = [0, 0, 0], sizes = [7, 1, 768], strides = [1, 1, 1]} : vector<7x1x2048xf32> to vector<7x1x768xf32>
    %slice3A_552 = vector.extract_strided_slice %sub3A_123 {offsets = [0, 0, 0], sizes = [7, 1, 768], strides = [1, 1, 1]} : vector<7x1x2048xf32> to vector<7x1x768xf32>
    %slice3A_553 = vector.extract_strided_slice %add3A_127 {offsets = [0, 0, 0], sizes = [7, 1, 768], strides = [1, 1, 1]} : vector<7x1x2048xf32> to vector<7x1x768xf32>
    %slice3A_554 = vector.extract_strided_slice %add3A_131 {offsets = [0, 0, 0], sizes = [7, 1, 768], strides = [1, 1, 1]} : vector<7x1x2048xf32> to vector<7x1x768xf32>
    %slice3A_555 = vector.extract_strided_slice %add3A_135 {offsets = [0, 0, 0], sizes = [7, 1, 768], strides = [1, 1, 1]} : vector<7x1x2048xf32> to vector<7x1x768xf32>
    %slice3A_556 = vector.extract_strided_slice %mul3A_137 {offsets = [0, 0, 0], sizes = [7, 1, 768], strides = [1, 1, 1]} : vector<7x1x2048xf32> to vector<7x1x768xf32>
    %concatenate3A_557 = tpu.concatenate %scan3A_213, %scan3A_365, %scan3A_521 in 2 : vector<7x1x256xf32>, vector<7x1x256xf32>, vector<7x1x256xf32> -> vector<7x1x768xf32>
    %min3A_558 = vector.broadcast %dot_general3A_537 : vector<7x256x1xf32> to vector<7x256x768xf32>
    %min3A_559 = vector.broadcast %slice3A_553 : vector<7x1x768xf32> to vector<7x256x768xf32>
    %min3A_560 = arith.minimumf %min3A_558, %min3A_559 : vector<7x256x768xf32>
    %max3A_561 = vector.broadcast %dot_general3A_531 : vector<7x256x1xf32> to vector<7x256x768xf32>
    %max3A_562 = vector.broadcast %slice3A_550 : vector<7x1x768xf32> to vector<7x256x768xf32>
    %max3A_563 = arith.maximumf %max3A_561, %max3A_562 : vector<7x256x768xf32>
    %sub3A_564 = arith.subf %min3A_560, %max3A_563 : vector<7x256x768xf32>
    %jit3A_565 = arith.constant 0.000000e+00 : f32
    %max3A_566 = vector.broadcast %jit3A_565 : f32 to vector<7x256x768xf32>
    %max3A_567 = arith.maximumf %max3A_566, %sub3A_564 : vector<7x256x768xf32>
    %min3A_568 = vector.broadcast %dot_general3A_539 : vector<7x256x1xf32> to vector<7x256x768xf32>
    %min3A_569 = vector.broadcast %slice3A_554 : vector<7x1x768xf32> to vector<7x256x768xf32>
    %min3A_570 = arith.minimumf %min3A_568, %min3A_569 : vector<7x256x768xf32>
    %max3A_571 = vector.broadcast %dot_general3A_533 : vector<7x256x1xf32> to vector<7x256x768xf32>
    %max3A_572 = vector.broadcast %slice3A_551 : vector<7x1x768xf32> to vector<7x256x768xf32>
    %max3A_573 = arith.maximumf %max3A_571, %max3A_572 : vector<7x256x768xf32>
    %sub3A_574 = arith.subf %min3A_570, %max3A_573 : vector<7x256x768xf32>
    %jit3A_575 = arith.constant 0.000000e+00 : f32
    %max3A_576 = vector.broadcast %jit3A_575 : f32 to vector<7x256x768xf32>
    %max3A_577 = arith.maximumf %max3A_576, %sub3A_574 : vector<7x256x768xf32>
    %min3A_578 = vector.broadcast %dot_general3A_541 : vector<7x256x1xf32> to vector<7x256x768xf32>
    %min3A_579 = vector.broadcast %slice3A_555 : vector<7x1x768xf32> to vector<7x256x768xf32>
    %min3A_580 = arith.minimumf %min3A_578, %min3A_579 : vector<7x256x768xf32>
    %max3A_581 = vector.broadcast %dot_general3A_535 : vector<7x256x1xf32> to vector<7x256x768xf32>
    %max3A_582 = vector.broadcast %slice3A_552 : vector<7x1x768xf32> to vector<7x256x768xf32>
    %max3A_583 = arith.maximumf %max3A_581, %max3A_582 : vector<7x256x768xf32>
    %sub3A_584 = arith.subf %min3A_580, %max3A_583 : vector<7x256x768xf32>
    %jit3A_585 = arith.constant 0.000000e+00 : f32
    %max3A_586 = vector.broadcast %jit3A_585 : f32 to vector<7x256x768xf32>
    %max3A_587 = arith.maximumf %max3A_586, %sub3A_584 : vector<7x256x768xf32>
    %mul3A_588 = arith.mulf %max3A_567, %max3A_577 : vector<7x256x768xf32>
    %mul3A_589 = arith.mulf %mul3A_588, %max3A_587 : vector<7x256x768xf32>
    %add3A_590 = vector.broadcast %dot_general3A_543 : vector<7x256x1xf32> to vector<7x256x768xf32>
    %add3A_591 = vector.broadcast %slice3A_556 : vector<7x1x768xf32> to vector<7x256x768xf32>
    %add3A_592 = arith.addf %add3A_590, %add3A_591 : vector<7x256x768xf32>
    %sub3A_593 = arith.subf %add3A_592, %mul3A_589 : vector<7x256x768xf32>
    %add3A_594 = arith.constant 9.99999997E-7 : f32
    %add3A_595 = vector.broadcast %add3A_594 : f32 to vector<7x256x768xf32>
    %add3A_596 = arith.addf %sub3A_593, %add3A_595 : vector<7x256x768xf32>
    %div3A_597 = arith.divf %mul3A_589, %add3A_596 : vector<7x256x768xf32>
    %gt3A_598 = arith.constant 5.000000e-01 : f32
    %gt3A_599 = vector.broadcast %gt3A_598 : f32 to vector<7x256x768xf32>
    %gt3A_600 = arith.cmpf ogt, %div3A_597, %gt3A_599 : vector<7x256x768xf32>
    %gt3A_601 = arith.constant 5.000000e-01 : f32
    %gt3A_602 = vector.broadcast %gt3A_601 : f32 to vector<7x1x768xf32>
    %gt3A_603 = arith.cmpf ogt, %concatenate3A_557, %gt3A_602 : vector<7x1x768xf32>
    %and3A_604 = vector.broadcast %gt3A_603 : vector<7x1x768xi1> to vector<7x256x768xi1>
    %and3A_605 = arith.andi %gt3A_600, %and3A_604 : vector<7x256x768xi1>
    %reduce_or3A_606 = arith.constant 1.000000e+00 : f32
    %reduce_or3A_607 = arith.constant 0.000000e+00 : f32
    %reduce_or3A_608 = vector.broadcast %reduce_or3A_606 : f32 to vector<7x256x768xf32>
    %reduce_or3A_609 = vector.broadcast %reduce_or3A_607 : f32 to vector<7x256x768xf32>
    %reduce_or3A_610 = arith.select %and3A_605, %reduce_or3A_608, %reduce_or3A_609 : vector<7x256x768xi1>, vector<7x256x768xf32>
    %reduce_or3A_611 = arith.constant dense<0xFF800000> : vector<7x256xf32>
    %reduce_or3A_612 = vector.multi_reduction <maximumf>, %reduce_or3A_610, %reduce_or3A_611 [2] : vector<7x256x768xf32> to vector<7x256xf32>
    %reduce_or3A_613 = arith.constant 0.000000e+00 : f32
    %reduce_or3A_614 = vector.broadcast %reduce_or3A_613 : f32 to vector<7x256xf32>
    %reduce_or3A_615 = arith.cmpf ogt, %reduce_or3A_612, %reduce_or3A_614 : vector<7x256xf32>
    %broadcast_in_dim3A_616 = vector.shape_cast %reduce_or3A_615 : vector<7x256xi1> to vector<7x256x1xi1>
    %convert_element_type3A_617 = arith.extui %broadcast_in_dim3A_616 : vector<7x256x1xi1> to vector<7x256x1xi32>
    %convert_element_type3A_618 = arith.sitofp %convert_element_type3A_617 : vector<7x256x1xi32> to vector<7x256x1xf32>
    %dot_general3A_619 = arith.constant dense<0.000000e+00> : vector<7x1x256xf32>
    %dot_general3A_620 = tpu.matmul %convert_element_type3A_618, %convert_element_type3A_139, %dot_general3A_619 {dimension_numbers = #tpu.dot_dimension_numbers<[1], [1], [2], [2], [0, 0, 0, 2, 1, 2], [0], [0]>, transpose_lhs_hint = false} : vector<7x256x1xf32>, vector<7x256x256xf32>, vector<7x1x256xf32> -> vector<7x1x256xf32>
    %gt3A_621 = arith.constant 5.000000e-01 : f32
    %gt3A_622 = vector.broadcast %gt3A_621 : f32 to vector<7x1x256xf32>
    %gt3A_623 = arith.cmpf ogt, %dot_general3A_620, %gt3A_622 : vector<7x1x256xf32>
    %jit3A_624 = arith.constant 0.000000e+00 : f32
    %broadcast_in_dim3A_625 = vector.broadcast %jit3A_624 : f32 to vector<7x1x256xf32>
    %select_n3A_626 = arith.select %gt3A_623, %broadcast_in_dim3A_625, %convert_element_type3A_549 : vector<7x1x256xi1>, vector<7x1x256xf32>
    %min3A_627 = vector.broadcast %dot_general3A_537 : vector<7x256x1xf32> to vector<7x256x256xf32>
    %min3A_628 = vector.broadcast %slice3A_526 : vector<7x1x256xf32> to vector<7x256x256xf32>
    %min3A_629 = arith.minimumf %min3A_627, %min3A_628 : vector<7x256x256xf32>
    %max3A_630 = vector.broadcast %dot_general3A_531 : vector<7x256x1xf32> to vector<7x256x256xf32>
    %max3A_631 = vector.broadcast %slice3A_523 : vector<7x1x256xf32> to vector<7x256x256xf32>
    %max3A_632 = arith.maximumf %max3A_630, %max3A_631 : vector<7x256x256xf32>
    %sub3A_633 = arith.subf %min3A_629, %max3A_632 : vector<7x256x256xf32>
    %jit3A_634 = arith.constant 0.000000e+00 : f32
    %max3A_635 = vector.broadcast %jit3A_634 : f32 to vector<7x256x256xf32>
    %max3A_636 = arith.maximumf %max3A_635, %sub3A_633 : vector<7x256x256xf32>
    %min3A_637 = vector.broadcast %dot_general3A_539 : vector<7x256x1xf32> to vector<7x256x256xf32>
    %min3A_638 = vector.broadcast %slice3A_527 : vector<7x1x256xf32> to vector<7x256x256xf32>
    %min3A_639 = arith.minimumf %min3A_637, %min3A_638 : vector<7x256x256xf32>
    %max3A_640 = vector.broadcast %dot_general3A_533 : vector<7x256x1xf32> to vector<7x256x256xf32>
    %max3A_641 = vector.broadcast %slice3A_524 : vector<7x1x256xf32> to vector<7x256x256xf32>
    %max3A_642 = arith.maximumf %max3A_640, %max3A_641 : vector<7x256x256xf32>
    %sub3A_643 = arith.subf %min3A_639, %max3A_642 : vector<7x256x256xf32>
    %jit3A_644 = arith.constant 0.000000e+00 : f32
    %max3A_645 = vector.broadcast %jit3A_644 : f32 to vector<7x256x256xf32>
    %max3A_646 = arith.maximumf %max3A_645, %sub3A_643 : vector<7x256x256xf32>
    %min3A_647 = vector.broadcast %dot_general3A_541 : vector<7x256x1xf32> to vector<7x256x256xf32>
    %min3A_648 = vector.broadcast %slice3A_528 : vector<7x1x256xf32> to vector<7x256x256xf32>
    %min3A_649 = arith.minimumf %min3A_647, %min3A_648 : vector<7x256x256xf32>
    %max3A_650 = vector.broadcast %dot_general3A_535 : vector<7x256x1xf32> to vector<7x256x256xf32>
    %max3A_651 = vector.broadcast %slice3A_525 : vector<7x1x256xf32> to vector<7x256x256xf32>
    %max3A_652 = arith.maximumf %max3A_650, %max3A_651 : vector<7x256x256xf32>
    %sub3A_653 = arith.subf %min3A_649, %max3A_652 : vector<7x256x256xf32>
    %jit3A_654 = arith.constant 0.000000e+00 : f32
    %max3A_655 = vector.broadcast %jit3A_654 : f32 to vector<7x256x256xf32>
    %max3A_656 = arith.maximumf %max3A_655, %sub3A_653 : vector<7x256x256xf32>
    %mul3A_657 = arith.mulf %max3A_636, %max3A_646 : vector<7x256x256xf32>
    %mul3A_658 = arith.mulf %mul3A_657, %max3A_656 : vector<7x256x256xf32>
    %add3A_659 = vector.broadcast %dot_general3A_543 : vector<7x256x1xf32> to vector<7x256x256xf32>
    %add3A_660 = vector.broadcast %slice3A_529 : vector<7x1x256xf32> to vector<7x256x256xf32>
    %add3A_661 = arith.addf %add3A_659, %add3A_660 : vector<7x256x256xf32>
    %sub3A_662 = arith.subf %add3A_661, %mul3A_658 : vector<7x256x256xf32>
    %add3A_663 = arith.constant 9.99999997E-7 : f32
    %add3A_664 = vector.broadcast %add3A_663 : f32 to vector<7x256x256xf32>
    %add3A_665 = arith.addf %sub3A_662, %add3A_664 : vector<7x256x256xf32>
    %div3A_666 = arith.divf %mul3A_658, %add3A_665 : vector<7x256x256xf32>
    %swap3A_667 = arith.constant 0 : index
    %swap3A_668 = arith.constant 0 : index
    %swap3A_669 = arith.constant 0 : index
    %swap3A_670 = vector.load %arg5[%swap3A_667, %swap3A_668, %swap3A_669] : memref<7x256x256xf32, #tpu.memory_space<vmem>>, vector<7x256x256xf32>
    tpu.vector_store %arg5[%swap3A_667, %swap3A_668, %swap3A_669], %div3A_666 {strides = array<i32>} : memref<7x256x256xf32, #tpu.memory_space<vmem>>, vector<7x256x256xf32>,
    %broadcast_in_dim3A_671 = arith.constant 0.000000e+00 : f32
    %broadcast_in_dim3A_672 = vector.broadcast %broadcast_in_dim3A_671 : f32 to vector<7x1x256xf32>
    %scan3A_673 = arith.constant 0 : i32
    %scan3A_674 = arith.constant 256 : i32
    %scan3A_675 = arith.addi %scan3A_673, %scan3A_674 : i32
    %scan3A_676 = arith.constant 1 : i32
    %scan3A_677 = scf.for %scan3A_1314 = %scan3A_673 to %scan3A_675 step %scan3A_676 iter_args(%scan3A_1315 = %broadcast_in_dim3A_672) -> (vector<7x1x256xf32>)  : i32 {
      %get3A_1316 = arith.constant 0 : index
      %get3A_1317 = arith.index_cast %scan3A_1314 : i32 to index
      %get3A_1318 = arith.constant 0 : index
      %get3A_1319 = vector.load %arg5[%get3A_1316, %get3A_1317, %get3A_1318] : memref<7x256x256xf32, #tpu.memory_space<vmem>>, vector<7x1x256xf32>
      %mul3A_1320 = arith.mulf %get3A_1319, %scan3A_1315 : vector<7x1x256xf32>
      %reduce_max3A = arith.constant dense<0xFF800000> : vector<7x1xf32>
      %reduce_max3A_1321 = vector.multi_reduction <maximumf>, %mul3A_1320, %reduce_max3A [2] : vector<7x1x256xf32> to vector<7x1xf32>
      %broadcast_in_dim3A_1322 = vector.shape_cast %reduce_max3A_1321 : vector<7x1xf32> to vector<7x1x1xf32>
      %le3A = arith.constant 5.000000e-01 : f32
      %le3A_1323 = vector.broadcast %le3A : f32 to vector<7x1x1xf32>
      %le3A_1324 = arith.cmpf ole, %broadcast_in_dim3A_1322, %le3A_1323 : vector<7x1x1xf32>
      %convert_element_type3A_1325 = arith.extui %le3A_1324 : vector<7x1x1xi1> to vector<7x1x1xi32>
      %convert_element_type3A_1326 = arith.sitofp %convert_element_type3A_1325 : vector<7x1x1xi32> to vector<7x1x1xf32>
      %eq3A_1327 = vector.broadcast %scan3A_1314 : i32 to vector<7x1x256xi32>
      %eq3A_1328 = arith.cmpi eq, %iota3A_140, %eq3A_1327 : vector<7x1x256xi32>
      %convert_element_type3A_1329 = arith.extui %eq3A_1328 : vector<7x1x256xi1> to vector<7x1x256xi32>
      %convert_element_type3A_1330 = arith.sitofp %convert_element_type3A_1329 : vector<7x1x256xi32> to vector<7x1x256xf32>
      %mul3A_1331 = arith.mulf %convert_element_type3A_1330, %select_n3A_626 : vector<7x1x256xf32>
      %mul3A_1332 = vector.broadcast %convert_element_type3A_1326 : vector<7x1x1xf32> to vector<7x1x256xf32>
      %mul3A_1333 = arith.mulf %mul3A_1331, %mul3A_1332 : vector<7x1x256xf32>
      %add3A_1334 = arith.addf %scan3A_1315, %mul3A_1333 : vector<7x1x256xf32>
      scf.yield %add3A_1334 : vector<7x1x256xf32>
    }
    %scan3A_678 = arith.constant 256 : i32
    %slice3A_679 = vector.extract_strided_slice %sub3A {offsets = [0, 0, 1024], sizes = [7, 1, 256], strides = [1, 1, 1]} : vector<7x1x2048xf32> to vector<7x1x256xf32>
    %slice3A_680 = vector.extract_strided_slice %sub3A_119 {offsets = [0, 0, 1024], sizes = [7, 1, 256], strides = [1, 1, 1]} : vector<7x1x2048xf32> to vector<7x1x256xf32>
    %slice3A_681 = vector.extract_strided_slice %sub3A_123 {offsets = [0, 0, 1024], sizes = [7, 1, 256], strides = [1, 1, 1]} : vector<7x1x2048xf32> to vector<7x1x256xf32>
    %slice3A_682 = vector.extract_strided_slice %add3A_127 {offsets = [0, 0, 1024], sizes = [7, 1, 256], strides = [1, 1, 1]} : vector<7x1x2048xf32> to vector<7x1x256xf32>
    %slice3A_683 = vector.extract_strided_slice %add3A_131 {offsets = [0, 0, 1024], sizes = [7, 1, 256], strides = [1, 1, 1]} : vector<7x1x2048xf32> to vector<7x1x256xf32>
    %slice3A_684 = vector.extract_strided_slice %add3A_135 {offsets = [0, 0, 1024], sizes = [7, 1, 256], strides = [1, 1, 1]} : vector<7x1x2048xf32> to vector<7x1x256xf32>
    %slice3A_685 = vector.extract_strided_slice %mul3A_137 {offsets = [0, 0, 1024], sizes = [7, 1, 256], strides = [1, 1, 1]} : vector<7x1x2048xf32> to vector<7x1x256xf32>
    %dot_general3A_686 = arith.constant dense<0.000000e+00> : vector<7x256x1xf32>
    %dot_general3A_687 = tpu.matmul %convert_element_type3A_139, %slice3A_679, %dot_general3A_686 {dimension_numbers = #tpu.dot_dimension_numbers<[2], [2], [1], [1], [0, 0, 0, 1, 1, 1], [0], [0]>, transpose_lhs_hint = false} : vector<7x256x256xf32>, vector<7x1x256xf32>, vector<7x256x1xf32> -> vector<7x256x1xf32>
    %dot_general3A_688 = arith.constant dense<0.000000e+00> : vector<7x256x1xf32>
    %dot_general3A_689 = tpu.matmul %convert_element_type3A_139, %slice3A_680, %dot_general3A_688 {dimension_numbers = #tpu.dot_dimension_numbers<[2], [2], [1], [1], [0, 0, 0, 1, 1, 1], [0], [0]>, transpose_lhs_hint = false} : vector<7x256x256xf32>, vector<7x1x256xf32>, vector<7x256x1xf32> -> vector<7x256x1xf32>
    %dot_general3A_690 = arith.constant dense<0.000000e+00> : vector<7x256x1xf32>
    %dot_general3A_691 = tpu.matmul %convert_element_type3A_139, %slice3A_681, %dot_general3A_690 {dimension_numbers = #tpu.dot_dimension_numbers<[2], [2], [1], [1], [0, 0, 0, 1, 1, 1], [0], [0]>, transpose_lhs_hint = false} : vector<7x256x256xf32>, vector<7x1x256xf32>, vector<7x256x1xf32> -> vector<7x256x1xf32>
    %dot_general3A_692 = arith.constant dense<0.000000e+00> : vector<7x256x1xf32>
    %dot_general3A_693 = tpu.matmul %convert_element_type3A_139, %slice3A_682, %dot_general3A_692 {dimension_numbers = #tpu.dot_dimension_numbers<[2], [2], [1], [1], [0, 0, 0, 1, 1, 1], [0], [0]>, transpose_lhs_hint = false} : vector<7x256x256xf32>, vector<7x1x256xf32>, vector<7x256x1xf32> -> vector<7x256x1xf32>
    %dot_general3A_694 = arith.constant dense<0.000000e+00> : vector<7x256x1xf32>
    %dot_general3A_695 = tpu.matmul %convert_element_type3A_139, %slice3A_683, %dot_general3A_694 {dimension_numbers = #tpu.dot_dimension_numbers<[2], [2], [1], [1], [0, 0, 0, 1, 1, 1], [0], [0]>, transpose_lhs_hint = false} : vector<7x256x256xf32>, vector<7x1x256xf32>, vector<7x256x1xf32> -> vector<7x256x1xf32>
    %dot_general3A_696 = arith.constant dense<0.000000e+00> : vector<7x256x1xf32>
    %dot_general3A_697 = tpu.matmul %convert_element_type3A_139, %slice3A_684, %dot_general3A_696 {dimension_numbers = #tpu.dot_dimension_numbers<[2], [2], [1], [1], [0, 0, 0, 1, 1, 1], [0], [0]>, transpose_lhs_hint = false} : vector<7x256x256xf32>, vector<7x1x256xf32>, vector<7x256x1xf32> -> vector<7x256x1xf32>
    %dot_general3A_698 = arith.constant dense<0.000000e+00> : vector<7x256x1xf32>
    %dot_general3A_699 = tpu.matmul %convert_element_type3A_139, %slice3A_685, %dot_general3A_698 {dimension_numbers = #tpu.dot_dimension_numbers<[2], [2], [1], [1], [0, 0, 0, 1, 1, 1], [0], [0]>, transpose_lhs_hint = false} : vector<7x256x256xf32>, vector<7x1x256xf32>, vector<7x256x1xf32> -> vector<7x256x1xf32>
    %slice3A_700 = vector.extract_strided_slice %get3A_2 {offsets = [0, 0, 1024], sizes = [7, 1, 256], strides = [1, 1, 1]} : vector<7x1x2048xf32> to vector<7x1x256xf32>
    %gt3A_701 = arith.constant 0.000000e+00 : f32
    %gt3A_702 = vector.broadcast %gt3A_701 : f32 to vector<7x1x256xf32>
    %gt3A_703 = arith.cmpf ogt, %slice3A_700, %gt3A_702 : vector<7x1x256xf32>
    %convert_element_type3A_704 = arith.extui %gt3A_703 : vector<7x1x256xi1> to vector<7x1x256xi32>
    %convert_element_type3A_705 = arith.sitofp %convert_element_type3A_704 : vector<7x1x256xi32> to vector<7x1x256xf32>
    %slice3A_706 = vector.extract_strided_slice %sub3A {offsets = [0, 0, 0], sizes = [7, 1, 1024], strides = [1, 1, 1]} : vector<7x1x2048xf32> to vector<7x1x1024xf32>
    %slice3A_707 = vector.extract_strided_slice %sub3A_119 {offsets = [0, 0, 0], sizes = [7, 1, 1024], strides = [1, 1, 1]} : vector<7x1x2048xf32> to vector<7x1x1024xf32>
    %slice3A_708 = vector.extract_strided_slice %sub3A_123 {offsets = [0, 0, 0], sizes = [7, 1, 1024], strides = [1, 1, 1]} : vector<7x1x2048xf32> to vector<7x1x1024xf32>
    %slice3A_709 = vector.extract_strided_slice %add3A_127 {offsets = [0, 0, 0], sizes = [7, 1, 1024], strides = [1, 1, 1]} : vector<7x1x2048xf32> to vector<7x1x1024xf32>
    %slice3A_710 = vector.extract_strided_slice %add3A_131 {offsets = [0, 0, 0], sizes = [7, 1, 1024], strides = [1, 1, 1]} : vector<7x1x2048xf32> to vector<7x1x1024xf32>
    %slice3A_711 = vector.extract_strided_slice %add3A_135 {offsets = [0, 0, 0], sizes = [7, 1, 1024], strides = [1, 1, 1]} : vector<7x1x2048xf32> to vector<7x1x1024xf32>
    %slice3A_712 = vector.extract_strided_slice %mul3A_137 {offsets = [0, 0, 0], sizes = [7, 1, 1024], strides = [1, 1, 1]} : vector<7x1x2048xf32> to vector<7x1x1024xf32>
    %concatenate3A_713 = tpu.concatenate %scan3A_213, %scan3A_365, %scan3A_521, %scan3A_677 in 2 : vector<7x1x256xf32>, vector<7x1x256xf32>, vector<7x1x256xf32>, vector<7x1x256xf32> -> vector<7x1x1024xf32>
    %min3A_714 = vector.broadcast %dot_general3A_693 : vector<7x256x1xf32> to vector<7x256x1024xf32>
    %min3A_715 = vector.broadcast %slice3A_709 : vector<7x1x1024xf32> to vector<7x256x1024xf32>
    %min3A_716 = arith.minimumf %min3A_714, %min3A_715 : vector<7x256x1024xf32>
    %max3A_717 = vector.broadcast %dot_general3A_687 : vector<7x256x1xf32> to vector<7x256x1024xf32>
    %max3A_718 = vector.broadcast %slice3A_706 : vector<7x1x1024xf32> to vector<7x256x1024xf32>
    %max3A_719 = arith.maximumf %max3A_717, %max3A_718 : vector<7x256x1024xf32>
    %sub3A_720 = arith.subf %min3A_716, %max3A_719 : vector<7x256x1024xf32>
    %jit3A_721 = arith.constant 0.000000e+00 : f32
    %max3A_722 = vector.broadcast %jit3A_721 : f32 to vector<7x256x1024xf32>
    %max3A_723 = arith.maximumf %max3A_722, %sub3A_720 : vector<7x256x1024xf32>
    %min3A_724 = vector.broadcast %dot_general3A_695 : vector<7x256x1xf32> to vector<7x256x1024xf32>
    %min3A_725 = vector.broadcast %slice3A_710 : vector<7x1x1024xf32> to vector<7x256x1024xf32>
    %min3A_726 = arith.minimumf %min3A_724, %min3A_725 : vector<7x256x1024xf32>
    %max3A_727 = vector.broadcast %dot_general3A_689 : vector<7x256x1xf32> to vector<7x256x1024xf32>
    %max3A_728 = vector.broadcast %slice3A_707 : vector<7x1x1024xf32> to vector<7x256x1024xf32>
    %max3A_729 = arith.maximumf %max3A_727, %max3A_728 : vector<7x256x1024xf32>
    %sub3A_730 = arith.subf %min3A_726, %max3A_729 : vector<7x256x1024xf32>
    %jit3A_731 = arith.constant 0.000000e+00 : f32
    %max3A_732 = vector.broadcast %jit3A_731 : f32 to vector<7x256x1024xf32>
    %max3A_733 = arith.maximumf %max3A_732, %sub3A_730 : vector<7x256x1024xf32>
    %min3A_734 = vector.broadcast %dot_general3A_697 : vector<7x256x1xf32> to vector<7x256x1024xf32>
    %min3A_735 = vector.broadcast %slice3A_711 : vector<7x1x1024xf32> to vector<7x256x1024xf32>
    %min3A_736 = arith.minimumf %min3A_734, %min3A_735 : vector<7x256x1024xf32>
    %max3A_737 = vector.broadcast %dot_general3A_691 : vector<7x256x1xf32> to vector<7x256x1024xf32>
    %max3A_738 = vector.broadcast %slice3A_708 : vector<7x1x1024xf32> to vector<7x256x1024xf32>
    %max3A_739 = arith.maximumf %max3A_737, %max3A_738 : vector<7x256x1024xf32>
    %sub3A_740 = arith.subf %min3A_736, %max3A_739 : vector<7x256x1024xf32>
    %jit3A_741 = arith.constant 0.000000e+00 : f32
    %max3A_742 = vector.broadcast %jit3A_741 : f32 to vector<7x256x1024xf32>
    %max3A_743 = arith.maximumf %max3A_742, %sub3A_740 : vector<7x256x1024xf32>
    %mul3A_744 = arith.mulf %max3A_723, %max3A_733 : vector<7x256x1024xf32>
    %mul3A_745 = arith.mulf %mul3A_744, %max3A_743 : vector<7x256x1024xf32>
    %add3A_746 = vector.broadcast %dot_general3A_699 : vector<7x256x1xf32> to vector<7x256x1024xf32>
    %add3A_747 = vector.broadcast %slice3A_712 : vector<7x1x1024xf32> to vector<7x256x1024xf32>
    %add3A_748 = arith.addf %add3A_746, %add3A_747 : vector<7x256x1024xf32>
    %sub3A_749 = arith.subf %add3A_748, %mul3A_745 : vector<7x256x1024xf32>
    %add3A_750 = arith.constant 9.99999997E-7 : f32
    %add3A_751 = vector.broadcast %add3A_750 : f32 to vector<7x256x1024xf32>
    %add3A_752 = arith.addf %sub3A_749, %add3A_751 : vector<7x256x1024xf32>
    %div3A_753 = arith.divf %mul3A_745, %add3A_752 : vector<7x256x1024xf32>
    %gt3A_754 = arith.constant 5.000000e-01 : f32
    %gt3A_755 = vector.broadcast %gt3A_754 : f32 to vector<7x256x1024xf32>
    %gt3A_756 = arith.cmpf ogt, %div3A_753, %gt3A_755 : vector<7x256x1024xf32>
    %gt3A_757 = arith.constant 5.000000e-01 : f32
    %gt3A_758 = vector.broadcast %gt3A_757 : f32 to vector<7x1x1024xf32>
    %gt3A_759 = arith.cmpf ogt, %concatenate3A_713, %gt3A_758 : vector<7x1x1024xf32>
    %and3A_760 = vector.broadcast %gt3A_759 : vector<7x1x1024xi1> to vector<7x256x1024xi1>
    %and3A_761 = arith.andi %gt3A_756, %and3A_760 : vector<7x256x1024xi1>
    %reduce_or3A_762 = arith.constant 1.000000e+00 : f32
    %reduce_or3A_763 = arith.constant 0.000000e+00 : f32
    %reduce_or3A_764 = vector.broadcast %reduce_or3A_762 : f32 to vector<7x256x1024xf32>
    %reduce_or3A_765 = vector.broadcast %reduce_or3A_763 : f32 to vector<7x256x1024xf32>
    %reduce_or3A_766 = arith.select %and3A_761, %reduce_or3A_764, %reduce_or3A_765 : vector<7x256x1024xi1>, vector<7x256x1024xf32>
    %reduce_or3A_767 = arith.constant dense<0xFF800000> : vector<7x256xf32>
    %reduce_or3A_768 = vector.multi_reduction <maximumf>, %reduce_or3A_766, %reduce_or3A_767 [2] : vector<7x256x1024xf32> to vector<7x256xf32>
    %reduce_or3A_769 = arith.constant 0.000000e+00 : f32
    %reduce_or3A_770 = vector.broadcast %reduce_or3A_769 : f32 to vector<7x256xf32>
    %reduce_or3A_771 = arith.cmpf ogt, %reduce_or3A_768, %reduce_or3A_770 : vector<7x256xf32>
    %broadcast_in_dim3A_772 = vector.shape_cast %reduce_or3A_771 : vector<7x256xi1> to vector<7x256x1xi1>
    %convert_element_type3A_773 = arith.extui %broadcast_in_dim3A_772 : vector<7x256x1xi1> to vector<7x256x1xi32>
    %convert_element_type3A_774 = arith.sitofp %convert_element_type3A_773 : vector<7x256x1xi32> to vector<7x256x1xf32>
    %dot_general3A_775 = arith.constant dense<0.000000e+00> : vector<7x1x256xf32>
    %dot_general3A_776 = tpu.matmul %convert_element_type3A_774, %convert_element_type3A_139, %dot_general3A_775 {dimension_numbers = #tpu.dot_dimension_numbers<[1], [1], [2], [2], [0, 0, 0, 2, 1, 2], [0], [0]>, transpose_lhs_hint = false} : vector<7x256x1xf32>, vector<7x256x256xf32>, vector<7x1x256xf32> -> vector<7x1x256xf32>
    %gt3A_777 = arith.constant 5.000000e-01 : f32
    %gt3A_778 = vector.broadcast %gt3A_777 : f32 to vector<7x1x256xf32>
    %gt3A_779 = arith.cmpf ogt, %dot_general3A_776, %gt3A_778 : vector<7x1x256xf32>
    %jit3A_780 = arith.constant 0.000000e+00 : f32
    %broadcast_in_dim3A_781 = vector.broadcast %jit3A_780 : f32 to vector<7x1x256xf32>
    %select_n3A_782 = arith.select %gt3A_779, %broadcast_in_dim3A_781, %convert_element_type3A_705 : vector<7x1x256xi1>, vector<7x1x256xf32>
    %min3A_783 = vector.broadcast %dot_general3A_693 : vector<7x256x1xf32> to vector<7x256x256xf32>
    %min3A_784 = vector.broadcast %slice3A_682 : vector<7x1x256xf32> to vector<7x256x256xf32>
    %min3A_785 = arith.minimumf %min3A_783, %min3A_784 : vector<7x256x256xf32>
    %max3A_786 = vector.broadcast %dot_general3A_687 : vector<7x256x1xf32> to vector<7x256x256xf32>
    %max3A_787 = vector.broadcast %slice3A_679 : vector<7x1x256xf32> to vector<7x256x256xf32>
    %max3A_788 = arith.maximumf %max3A_786, %max3A_787 : vector<7x256x256xf32>
    %sub3A_789 = arith.subf %min3A_785, %max3A_788 : vector<7x256x256xf32>
    %jit3A_790 = arith.constant 0.000000e+00 : f32
    %max3A_791 = vector.broadcast %jit3A_790 : f32 to vector<7x256x256xf32>
    %max3A_792 = arith.maximumf %max3A_791, %sub3A_789 : vector<7x256x256xf32>
    %min3A_793 = vector.broadcast %dot_general3A_695 : vector<7x256x1xf32> to vector<7x256x256xf32>
    %min3A_794 = vector.broadcast %slice3A_683 : vector<7x1x256xf32> to vector<7x256x256xf32>
    %min3A_795 = arith.minimumf %min3A_793, %min3A_794 : vector<7x256x256xf32>
    %max3A_796 = vector.broadcast %dot_general3A_689 : vector<7x256x1xf32> to vector<7x256x256xf32>
    %max3A_797 = vector.broadcast %slice3A_680 : vector<7x1x256xf32> to vector<7x256x256xf32>
    %max3A_798 = arith.maximumf %max3A_796, %max3A_797 : vector<7x256x256xf32>
    %sub3A_799 = arith.subf %min3A_795, %max3A_798 : vector<7x256x256xf32>
    %jit3A_800 = arith.constant 0.000000e+00 : f32
    %max3A_801 = vector.broadcast %jit3A_800 : f32 to vector<7x256x256xf32>
    %max3A_802 = arith.maximumf %max3A_801, %sub3A_799 : vector<7x256x256xf32>
    %min3A_803 = vector.broadcast %dot_general3A_697 : vector<7x256x1xf32> to vector<7x256x256xf32>
    %min3A_804 = vector.broadcast %slice3A_684 : vector<7x1x256xf32> to vector<7x256x256xf32>
    %min3A_805 = arith.minimumf %min3A_803, %min3A_804 : vector<7x256x256xf32>
    %max3A_806 = vector.broadcast %dot_general3A_691 : vector<7x256x1xf32> to vector<7x256x256xf32>
    %max3A_807 = vector.broadcast %slice3A_681 : vector<7x1x256xf32> to vector<7x256x256xf32>
    %max3A_808 = arith.maximumf %max3A_806, %max3A_807 : vector<7x256x256xf32>
    %sub3A_809 = arith.subf %min3A_805, %max3A_808 : vector<7x256x256xf32>
    %jit3A_810 = arith.constant 0.000000e+00 : f32
    %max3A_811 = vector.broadcast %jit3A_810 : f32 to vector<7x256x256xf32>
    %max3A_812 = arith.maximumf %max3A_811, %sub3A_809 : vector<7x256x256xf32>
    %mul3A_813 = arith.mulf %max3A_792, %max3A_802 : vector<7x256x256xf32>
    %mul3A_814 = arith.mulf %mul3A_813, %max3A_812 : vector<7x256x256xf32>
    %add3A_815 = vector.broadcast %dot_general3A_699 : vector<7x256x1xf32> to vector<7x256x256xf32>
    %add3A_816 = vector.broadcast %slice3A_685 : vector<7x1x256xf32> to vector<7x256x256xf32>
    %add3A_817 = arith.addf %add3A_815, %add3A_816 : vector<7x256x256xf32>
    %sub3A_818 = arith.subf %add3A_817, %mul3A_814 : vector<7x256x256xf32>
    %add3A_819 = arith.constant 9.99999997E-7 : f32
    %add3A_820 = vector.broadcast %add3A_819 : f32 to vector<7x256x256xf32>
    %add3A_821 = arith.addf %sub3A_818, %add3A_820 : vector<7x256x256xf32>
    %div3A_822 = arith.divf %mul3A_814, %add3A_821 : vector<7x256x256xf32>
    %swap3A_823 = arith.constant 0 : index
    %swap3A_824 = arith.constant 0 : index
    %swap3A_825 = arith.constant 0 : index
    %swap3A_826 = vector.load %arg5[%swap3A_823, %swap3A_824, %swap3A_825] : memref<7x256x256xf32, #tpu.memory_space<vmem>>, vector<7x256x256xf32>
    tpu.vector_store %arg5[%swap3A_823, %swap3A_824, %swap3A_825], %div3A_822 {strides = array<i32>} : memref<7x256x256xf32, #tpu.memory_space<vmem>>, vector<7x256x256xf32>,
    %broadcast_in_dim3A_827 = arith.constant 0.000000e+00 : f32
    %broadcast_in_dim3A_828 = vector.broadcast %broadcast_in_dim3A_827 : f32 to vector<7x1x256xf32>
    %scan3A_829 = arith.constant 0 : i32
    %scan3A_830 = arith.constant 256 : i32
    %scan3A_831 = arith.addi %scan3A_829, %scan3A_830 : i32
    %scan3A_832 = arith.constant 1 : i32
    %scan3A_833 = scf.for %scan3A_1314 = %scan3A_829 to %scan3A_831 step %scan3A_832 iter_args(%scan3A_1315 = %broadcast_in_dim3A_828) -> (vector<7x1x256xf32>)  : i32 {
      %get3A_1316 = arith.constant 0 : index
      %get3A_1317 = arith.index_cast %scan3A_1314 : i32 to index
      %get3A_1318 = arith.constant 0 : index
      %get3A_1319 = vector.load %arg5[%get3A_1316, %get3A_1317, %get3A_1318] : memref<7x256x256xf32, #tpu.memory_space<vmem>>, vector<7x1x256xf32>
      %mul3A_1320 = arith.mulf %get3A_1319, %scan3A_1315 : vector<7x1x256xf32>
      %reduce_max3A = arith.constant dense<0xFF800000> : vector<7x1xf32>
      %reduce_max3A_1321 = vector.multi_reduction <maximumf>, %mul3A_1320, %reduce_max3A [2] : vector<7x1x256xf32> to vector<7x1xf32>
      %broadcast_in_dim3A_1322 = vector.shape_cast %reduce_max3A_1321 : vector<7x1xf32> to vector<7x1x1xf32>
      %le3A = arith.constant 5.000000e-01 : f32
      %le3A_1323 = vector.broadcast %le3A : f32 to vector<7x1x1xf32>
      %le3A_1324 = arith.cmpf ole, %broadcast_in_dim3A_1322, %le3A_1323 : vector<7x1x1xf32>
      %convert_element_type3A_1325 = arith.extui %le3A_1324 : vector<7x1x1xi1> to vector<7x1x1xi32>
      %convert_element_type3A_1326 = arith.sitofp %convert_element_type3A_1325 : vector<7x1x1xi32> to vector<7x1x1xf32>
      %eq3A_1327 = vector.broadcast %scan3A_1314 : i32 to vector<7x1x256xi32>
      %eq3A_1328 = arith.cmpi eq, %iota3A_140, %eq3A_1327 : vector<7x1x256xi32>
      %convert_element_type3A_1329 = arith.extui %eq3A_1328 : vector<7x1x256xi1> to vector<7x1x256xi32>
      %convert_element_type3A_1330 = arith.sitofp %convert_element_type3A_1329 : vector<7x1x256xi32> to vector<7x1x256xf32>
      %mul3A_1331 = arith.mulf %convert_element_type3A_1330, %select_n3A_782 : vector<7x1x256xf32>
      %mul3A_1332 = vector.broadcast %convert_element_type3A_1326 : vector<7x1x1xf32> to vector<7x1x256xf32>
      %mul3A_1333 = arith.mulf %mul3A_1331, %mul3A_1332 : vector<7x1x256xf32>
      %add3A_1334 = arith.addf %scan3A_1315, %mul3A_1333 : vector<7x1x256xf32>
      scf.yield %add3A_1334 : vector<7x1x256xf32>
    }
    %scan3A_834 = arith.constant 256 : i32
    %slice3A_835 = vector.extract_strided_slice %sub3A {offsets = [0, 0, 1280], sizes = [7, 1, 256], strides = [1, 1, 1]} : vector<7x1x2048xf32> to vector<7x1x256xf32>
    %slice3A_836 = vector.extract_strided_slice %sub3A_119 {offsets = [0, 0, 1280], sizes = [7, 1, 256], strides = [1, 1, 1]} : vector<7x1x2048xf32> to vector<7x1x256xf32>
    %slice3A_837 = vector.extract_strided_slice %sub3A_123 {offsets = [0, 0, 1280], sizes = [7, 1, 256], strides = [1, 1, 1]} : vector<7x1x2048xf32> to vector<7x1x256xf32>
    %slice3A_838 = vector.extract_strided_slice %add3A_127 {offsets = [0, 0, 1280], sizes = [7, 1, 256], strides = [1, 1, 1]} : vector<7x1x2048xf32> to vector<7x1x256xf32>
    %slice3A_839 = vector.extract_strided_slice %add3A_131 {offsets = [0, 0, 1280], sizes = [7, 1, 256], strides = [1, 1, 1]} : vector<7x1x2048xf32> to vector<7x1x256xf32>
    %slice3A_840 = vector.extract_strided_slice %add3A_135 {offsets = [0, 0, 1280], sizes = [7, 1, 256], strides = [1, 1, 1]} : vector<7x1x2048xf32> to vector<7x1x256xf32>
    %slice3A_841 = vector.extract_strided_slice %mul3A_137 {offsets = [0, 0, 1280], sizes = [7, 1, 256], strides = [1, 1, 1]} : vector<7x1x2048xf32> to vector<7x1x256xf32>
    %dot_general3A_842 = arith.constant dense<0.000000e+00> : vector<7x256x1xf32>
    %dot_general3A_843 = tpu.matmul %convert_element_type3A_139, %slice3A_835, %dot_general3A_842 {dimension_numbers = #tpu.dot_dimension_numbers<[2], [2], [1], [1], [0, 0, 0, 1, 1, 1], [0], [0]>, transpose_lhs_hint = false} : vector<7x256x256xf32>, vector<7x1x256xf32>, vector<7x256x1xf32> -> vector<7x256x1xf32>
    %dot_general3A_844 = arith.constant dense<0.000000e+00> : vector<7x256x1xf32>
    %dot_general3A_845 = tpu.matmul %convert_element_type3A_139, %slice3A_836, %dot_general3A_844 {dimension_numbers = #tpu.dot_dimension_numbers<[2], [2], [1], [1], [0, 0, 0, 1, 1, 1], [0], [0]>, transpose_lhs_hint = false} : vector<7x256x256xf32>, vector<7x1x256xf32>, vector<7x256x1xf32> -> vector<7x256x1xf32>
    %dot_general3A_846 = arith.constant dense<0.000000e+00> : vector<7x256x1xf32>
    %dot_general3A_847 = tpu.matmul %convert_element_type3A_139, %slice3A_837, %dot_general3A_846 {dimension_numbers = #tpu.dot_dimension_numbers<[2], [2], [1], [1], [0, 0, 0, 1, 1, 1], [0], [0]>, transpose_lhs_hint = false} : vector<7x256x256xf32>, vector<7x1x256xf32>, vector<7x256x1xf32> -> vector<7x256x1xf32>
    %dot_general3A_848 = arith.constant dense<0.000000e+00> : vector<7x256x1xf32>
    %dot_general3A_849 = tpu.matmul %convert_element_type3A_139, %slice3A_838, %dot_general3A_848 {dimension_numbers = #tpu.dot_dimension_numbers<[2], [2], [1], [1], [0, 0, 0, 1, 1, 1], [0], [0]>, transpose_lhs_hint = false} : vector<7x256x256xf32>, vector<7x1x256xf32>, vector<7x256x1xf32> -> vector<7x256x1xf32>
    %dot_general3A_850 = arith.constant dense<0.000000e+00> : vector<7x256x1xf32>
    %dot_general3A_851 = tpu.matmul %convert_element_type3A_139, %slice3A_839, %dot_general3A_850 {dimension_numbers = #tpu.dot_dimension_numbers<[2], [2], [1], [1], [0, 0, 0, 1, 1, 1], [0], [0]>, transpose_lhs_hint = false} : vector<7x256x256xf32>, vector<7x1x256xf32>, vector<7x256x1xf32> -> vector<7x256x1xf32>
    %dot_general3A_852 = arith.constant dense<0.000000e+00> : vector<7x256x1xf32>
    %dot_general3A_853 = tpu.matmul %convert_element_type3A_139, %slice3A_840, %dot_general3A_852 {dimension_numbers = #tpu.dot_dimension_numbers<[2], [2], [1], [1], [0, 0, 0, 1, 1, 1], [0], [0]>, transpose_lhs_hint = false} : vector<7x256x256xf32>, vector<7x1x256xf32>, vector<7x256x1xf32> -> vector<7x256x1xf32>
    %dot_general3A_854 = arith.constant dense<0.000000e+00> : vector<7x256x1xf32>
    %dot_general3A_855 = tpu.matmul %convert_element_type3A_139, %slice3A_841, %dot_general3A_854 {dimension_numbers = #tpu.dot_dimension_numbers<[2], [2], [1], [1], [0, 0, 0, 1, 1, 1], [0], [0]>, transpose_lhs_hint = false} : vector<7x256x256xf32>, vector<7x1x256xf32>, vector<7x256x1xf32> -> vector<7x256x1xf32>
    %slice3A_856 = vector.extract_strided_slice %get3A_2 {offsets = [0, 0, 1280], sizes = [7, 1, 256], strides = [1, 1, 1]} : vector<7x1x2048xf32> to vector<7x1x256xf32>
    %gt3A_857 = arith.constant 0.000000e+00 : f32
    %gt3A_858 = vector.broadcast %gt3A_857 : f32 to vector<7x1x256xf32>
    %gt3A_859 = arith.cmpf ogt, %slice3A_856, %gt3A_858 : vector<7x1x256xf32>
    %convert_element_type3A_860 = arith.extui %gt3A_859 : vector<7x1x256xi1> to vector<7x1x256xi32>
    %convert_element_type3A_861 = arith.sitofp %convert_element_type3A_860 : vector<7x1x256xi32> to vector<7x1x256xf32>
    %slice3A_862 = vector.extract_strided_slice %sub3A {offsets = [0, 0, 0], sizes = [7, 1, 1280], strides = [1, 1, 1]} : vector<7x1x2048xf32> to vector<7x1x1280xf32>
    %slice3A_863 = vector.extract_strided_slice %sub3A_119 {offsets = [0, 0, 0], sizes = [7, 1, 1280], strides = [1, 1, 1]} : vector<7x1x2048xf32> to vector<7x1x1280xf32>
    %slice3A_864 = vector.extract_strided_slice %sub3A_123 {offsets = [0, 0, 0], sizes = [7, 1, 1280], strides = [1, 1, 1]} : vector<7x1x2048xf32> to vector<7x1x1280xf32>
    %slice3A_865 = vector.extract_strided_slice %add3A_127 {offsets = [0, 0, 0], sizes = [7, 1, 1280], strides = [1, 1, 1]} : vector<7x1x2048xf32> to vector<7x1x1280xf32>
    %slice3A_866 = vector.extract_strided_slice %add3A_131 {offsets = [0, 0, 0], sizes = [7, 1, 1280], strides = [1, 1, 1]} : vector<7x1x2048xf32> to vector<7x1x1280xf32>
    %slice3A_867 = vector.extract_strided_slice %add3A_135 {offsets = [0, 0, 0], sizes = [7, 1, 1280], strides = [1, 1, 1]} : vector<7x1x2048xf32> to vector<7x1x1280xf32>
    %slice3A_868 = vector.extract_strided_slice %mul3A_137 {offsets = [0, 0, 0], sizes = [7, 1, 1280], strides = [1, 1, 1]} : vector<7x1x2048xf32> to vector<7x1x1280xf32>
    %concatenate3A_869 = tpu.concatenate %scan3A_213, %scan3A_365, %scan3A_521, %scan3A_677, %scan3A_833 in 2 : vector<7x1x256xf32>, vector<7x1x256xf32>, vector<7x1x256xf32>, vector<7x1x256xf32>, vector<7x1x256xf32> -> vector<7x1x1280xf32>
    %min3A_870 = vector.broadcast %dot_general3A_849 : vector<7x256x1xf32> to vector<7x256x1280xf32>
    %min3A_871 = vector.broadcast %slice3A_865 : vector<7x1x1280xf32> to vector<7x256x1280xf32>
    %min3A_872 = arith.minimumf %min3A_870, %min3A_871 : vector<7x256x1280xf32>
    %max3A_873 = vector.broadcast %dot_general3A_843 : vector<7x256x1xf32> to vector<7x256x1280xf32>
    %max3A_874 = vector.broadcast %slice3A_862 : vector<7x1x1280xf32> to vector<7x256x1280xf32>
    %max3A_875 = arith.maximumf %max3A_873, %max3A_874 : vector<7x256x1280xf32>
    %sub3A_876 = arith.subf %min3A_872, %max3A_875 : vector<7x256x1280xf32>
    %jit3A_877 = arith.constant 0.000000e+00 : f32
    %max3A_878 = vector.broadcast %jit3A_877 : f32 to vector<7x256x1280xf32>
    %max3A_879 = arith.maximumf %max3A_878, %sub3A_876 : vector<7x256x1280xf32>
    %min3A_880 = vector.broadcast %dot_general3A_851 : vector<7x256x1xf32> to vector<7x256x1280xf32>
    %min3A_881 = vector.broadcast %slice3A_866 : vector<7x1x1280xf32> to vector<7x256x1280xf32>
    %min3A_882 = arith.minimumf %min3A_880, %min3A_881 : vector<7x256x1280xf32>
    %max3A_883 = vector.broadcast %dot_general3A_845 : vector<7x256x1xf32> to vector<7x256x1280xf32>
    %max3A_884 = vector.broadcast %slice3A_863 : vector<7x1x1280xf32> to vector<7x256x1280xf32>
    %max3A_885 = arith.maximumf %max3A_883, %max3A_884 : vector<7x256x1280xf32>
    %sub3A_886 = arith.subf %min3A_882, %max3A_885 : vector<7x256x1280xf32>
    %jit3A_887 = arith.constant 0.000000e+00 : f32
    %max3A_888 = vector.broadcast %jit3A_887 : f32 to vector<7x256x1280xf32>
    %max3A_889 = arith.maximumf %max3A_888, %sub3A_886 : vector<7x256x1280xf32>
    %min3A_890 = vector.broadcast %dot_general3A_853 : vector<7x256x1xf32> to vector<7x256x1280xf32>
    %min3A_891 = vector.broadcast %slice3A_867 : vector<7x1x1280xf32> to vector<7x256x1280xf32>
    %min3A_892 = arith.minimumf %min3A_890, %min3A_891 : vector<7x256x1280xf32>
    %max3A_893 = vector.broadcast %dot_general3A_847 : vector<7x256x1xf32> to vector<7x256x1280xf32>
    %max3A_894 = vector.broadcast %slice3A_864 : vector<7x1x1280xf32> to vector<7x256x1280xf32>
    %max3A_895 = arith.maximumf %max3A_893, %max3A_894 : vector<7x256x1280xf32>
    %sub3A_896 = arith.subf %min3A_892, %max3A_895 : vector<7x256x1280xf32>
    %jit3A_897 = arith.constant 0.000000e+00 : f32
    %max3A_898 = vector.broadcast %jit3A_897 : f32 to vector<7x256x1280xf32>
    %max3A_899 = arith.maximumf %max3A_898, %sub3A_896 : vector<7x256x1280xf32>
    %mul3A_900 = arith.mulf %max3A_879, %max3A_889 : vector<7x256x1280xf32>
    %mul3A_901 = arith.mulf %mul3A_900, %max3A_899 : vector<7x256x1280xf32>
    %add3A_902 = vector.broadcast %dot_general3A_855 : vector<7x256x1xf32> to vector<7x256x1280xf32>
    %add3A_903 = vector.broadcast %slice3A_868 : vector<7x1x1280xf32> to vector<7x256x1280xf32>
    %add3A_904 = arith.addf %add3A_902, %add3A_903 : vector<7x256x1280xf32>
    %sub3A_905 = arith.subf %add3A_904, %mul3A_901 : vector<7x256x1280xf32>
    %add3A_906 = arith.constant 9.99999997E-7 : f32
    %add3A_907 = vector.broadcast %add3A_906 : f32 to vector<7x256x1280xf32>
    %add3A_908 = arith.addf %sub3A_905, %add3A_907 : vector<7x256x1280xf32>
    %div3A_909 = arith.divf %mul3A_901, %add3A_908 : vector<7x256x1280xf32>
    %gt3A_910 = arith.constant 5.000000e-01 : f32
    %gt3A_911 = vector.broadcast %gt3A_910 : f32 to vector<7x256x1280xf32>
    %gt3A_912 = arith.cmpf ogt, %div3A_909, %gt3A_911 : vector<7x256x1280xf32>
    %gt3A_913 = arith.constant 5.000000e-01 : f32
    %gt3A_914 = vector.broadcast %gt3A_913 : f32 to vector<7x1x1280xf32>
    %gt3A_915 = arith.cmpf ogt, %concatenate3A_869, %gt3A_914 : vector<7x1x1280xf32>
    %and3A_916 = vector.broadcast %gt3A_915 : vector<7x1x1280xi1> to vector<7x256x1280xi1>
    %and3A_917 = arith.andi %gt3A_912, %and3A_916 : vector<7x256x1280xi1>
    %reduce_or3A_918 = arith.constant 1.000000e+00 : f32
    %reduce_or3A_919 = arith.constant 0.000000e+00 : f32
    %reduce_or3A_920 = vector.broadcast %reduce_or3A_918 : f32 to vector<7x256x1280xf32>
    %reduce_or3A_921 = vector.broadcast %reduce_or3A_919 : f32 to vector<7x256x1280xf32>
    %reduce_or3A_922 = arith.select %and3A_917, %reduce_or3A_920, %reduce_or3A_921 : vector<7x256x1280xi1>, vector<7x256x1280xf32>
    %reduce_or3A_923 = arith.constant dense<0xFF800000> : vector<7x256xf32>
    %reduce_or3A_924 = vector.multi_reduction <maximumf>, %reduce_or3A_922, %reduce_or3A_923 [2] : vector<7x256x1280xf32> to vector<7x256xf32>
    %reduce_or3A_925 = arith.constant 0.000000e+00 : f32
    %reduce_or3A_926 = vector.broadcast %reduce_or3A_925 : f32 to vector<7x256xf32>
    %reduce_or3A_927 = arith.cmpf ogt, %reduce_or3A_924, %reduce_or3A_926 : vector<7x256xf32>
    %broadcast_in_dim3A_928 = vector.shape_cast %reduce_or3A_927 : vector<7x256xi1> to vector<7x256x1xi1>
    %convert_element_type3A_929 = arith.extui %broadcast_in_dim3A_928 : vector<7x256x1xi1> to vector<7x256x1xi32>
    %convert_element_type3A_930 = arith.sitofp %convert_element_type3A_929 : vector<7x256x1xi32> to vector<7x256x1xf32>
    %dot_general3A_931 = arith.constant dense<0.000000e+00> : vector<7x1x256xf32>
    %dot_general3A_932 = tpu.matmul %convert_element_type3A_930, %convert_element_type3A_139, %dot_general3A_931 {dimension_numbers = #tpu.dot_dimension_numbers<[1], [1], [2], [2], [0, 0, 0, 2, 1, 2], [0], [0]>, transpose_lhs_hint = false} : vector<7x256x1xf32>, vector<7x256x256xf32>, vector<7x1x256xf32> -> vector<7x1x256xf32>
    %gt3A_933 = arith.constant 5.000000e-01 : f32
    %gt3A_934 = vector.broadcast %gt3A_933 : f32 to vector<7x1x256xf32>
    %gt3A_935 = arith.cmpf ogt, %dot_general3A_932, %gt3A_934 : vector<7x1x256xf32>
    %jit3A_936 = arith.constant 0.000000e+00 : f32
    %broadcast_in_dim3A_937 = vector.broadcast %jit3A_936 : f32 to vector<7x1x256xf32>
    %select_n3A_938 = arith.select %gt3A_935, %broadcast_in_dim3A_937, %convert_element_type3A_861 : vector<7x1x256xi1>, vector<7x1x256xf32>
    %min3A_939 = vector.broadcast %dot_general3A_849 : vector<7x256x1xf32> to vector<7x256x256xf32>
    %min3A_940 = vector.broadcast %slice3A_838 : vector<7x1x256xf32> to vector<7x256x256xf32>
    %min3A_941 = arith.minimumf %min3A_939, %min3A_940 : vector<7x256x256xf32>
    %max3A_942 = vector.broadcast %dot_general3A_843 : vector<7x256x1xf32> to vector<7x256x256xf32>
    %max3A_943 = vector.broadcast %slice3A_835 : vector<7x1x256xf32> to vector<7x256x256xf32>
    %max3A_944 = arith.maximumf %max3A_942, %max3A_943 : vector<7x256x256xf32>
    %sub3A_945 = arith.subf %min3A_941, %max3A_944 : vector<7x256x256xf32>
    %jit3A_946 = arith.constant 0.000000e+00 : f32
    %max3A_947 = vector.broadcast %jit3A_946 : f32 to vector<7x256x256xf32>
    %max3A_948 = arith.maximumf %max3A_947, %sub3A_945 : vector<7x256x256xf32>
    %min3A_949 = vector.broadcast %dot_general3A_851 : vector<7x256x1xf32> to vector<7x256x256xf32>
    %min3A_950 = vector.broadcast %slice3A_839 : vector<7x1x256xf32> to vector<7x256x256xf32>
    %min3A_951 = arith.minimumf %min3A_949, %min3A_950 : vector<7x256x256xf32>
    %max3A_952 = vector.broadcast %dot_general3A_845 : vector<7x256x1xf32> to vector<7x256x256xf32>
    %max3A_953 = vector.broadcast %slice3A_836 : vector<7x1x256xf32> to vector<7x256x256xf32>
    %max3A_954 = arith.maximumf %max3A_952, %max3A_953 : vector<7x256x256xf32>
    %sub3A_955 = arith.subf %min3A_951, %max3A_954 : vector<7x256x256xf32>
    %jit3A_956 = arith.constant 0.000000e+00 : f32
    %max3A_957 = vector.broadcast %jit3A_956 : f32 to vector<7x256x256xf32>
    %max3A_958 = arith.maximumf %max3A_957, %sub3A_955 : vector<7x256x256xf32>
    %min3A_959 = vector.broadcast %dot_general3A_853 : vector<7x256x1xf32> to vector<7x256x256xf32>
    %min3A_960 = vector.broadcast %slice3A_840 : vector<7x1x256xf32> to vector<7x256x256xf32>
    %min3A_961 = arith.minimumf %min3A_959, %min3A_960 : vector<7x256x256xf32>
    %max3A_962 = vector.broadcast %dot_general3A_847 : vector<7x256x1xf32> to vector<7x256x256xf32>
    %max3A_963 = vector.broadcast %slice3A_837 : vector<7x1x256xf32> to vector<7x256x256xf32>
    %max3A_964 = arith.maximumf %max3A_962, %max3A_963 : vector<7x256x256xf32>
    %sub3A_965 = arith.subf %min3A_961, %max3A_964 : vector<7x256x256xf32>
    %jit3A_966 = arith.constant 0.000000e+00 : f32
    %max3A_967 = vector.broadcast %jit3A_966 : f32 to vector<7x256x256xf32>
    %max3A_968 = arith.maximumf %max3A_967, %sub3A_965 : vector<7x256x256xf32>
    %mul3A_969 = arith.mulf %max3A_948, %max3A_958 : vector<7x256x256xf32>
    %mul3A_970 = arith.mulf %mul3A_969, %max3A_968 : vector<7x256x256xf32>
    %add3A_971 = vector.broadcast %dot_general3A_855 : vector<7x256x1xf32> to vector<7x256x256xf32>
    %add3A_972 = vector.broadcast %slice3A_841 : vector<7x1x256xf32> to vector<7x256x256xf32>
    %add3A_973 = arith.addf %add3A_971, %add3A_972 : vector<7x256x256xf32>
    %sub3A_974 = arith.subf %add3A_973, %mul3A_970 : vector<7x256x256xf32>
    %add3A_975 = arith.constant 9.99999997E-7 : f32
    %add3A_976 = vector.broadcast %add3A_975 : f32 to vector<7x256x256xf32>
    %add3A_977 = arith.addf %sub3A_974, %add3A_976 : vector<7x256x256xf32>
    %div3A_978 = arith.divf %mul3A_970, %add3A_977 : vector<7x256x256xf32>
    %swap3A_979 = arith.constant 0 : index
    %swap3A_980 = arith.constant 0 : index
    %swap3A_981 = arith.constant 0 : index
    %swap3A_982 = vector.load %arg5[%swap3A_979, %swap3A_980, %swap3A_981] : memref<7x256x256xf32, #tpu.memory_space<vmem>>, vector<7x256x256xf32>
    tpu.vector_store %arg5[%swap3A_979, %swap3A_980, %swap3A_981], %div3A_978 {strides = array<i32>} : memref<7x256x256xf32, #tpu.memory_space<vmem>>, vector<7x256x256xf32>,
    %broadcast_in_dim3A_983 = arith.constant 0.000000e+00 : f32
    %broadcast_in_dim3A_984 = vector.broadcast %broadcast_in_dim3A_983 : f32 to vector<7x1x256xf32>
    %scan3A_985 = arith.constant 0 : i32
    %scan3A_986 = arith.constant 256 : i32
    %scan3A_987 = arith.addi %scan3A_985, %scan3A_986 : i32
    %scan3A_988 = arith.constant 1 : i32
    %scan3A_989 = scf.for %scan3A_1314 = %scan3A_985 to %scan3A_987 step %scan3A_988 iter_args(%scan3A_1315 = %broadcast_in_dim3A_984) -> (vector<7x1x256xf32>)  : i32 {
      %get3A_1316 = arith.constant 0 : index
      %get3A_1317 = arith.index_cast %scan3A_1314 : i32 to index
      %get3A_1318 = arith.constant 0 : index
      %get3A_1319 = vector.load %arg5[%get3A_1316, %get3A_1317, %get3A_1318] : memref<7x256x256xf32, #tpu.memory_space<vmem>>, vector<7x1x256xf32>
      %mul3A_1320 = arith.mulf %get3A_1319, %scan3A_1315 : vector<7x1x256xf32>
      %reduce_max3A = arith.constant dense<0xFF800000> : vector<7x1xf32>
      %reduce_max3A_1321 = vector.multi_reduction <maximumf>, %mul3A_1320, %reduce_max3A [2] : vector<7x1x256xf32> to vector<7x1xf32>
      %broadcast_in_dim3A_1322 = vector.shape_cast %reduce_max3A_1321 : vector<7x1xf32> to vector<7x1x1xf32>
      %le3A = arith.constant 5.000000e-01 : f32
      %le3A_1323 = vector.broadcast %le3A : f32 to vector<7x1x1xf32>
      %le3A_1324 = arith.cmpf ole, %broadcast_in_dim3A_1322, %le3A_1323 : vector<7x1x1xf32>
      %convert_element_type3A_1325 = arith.extui %le3A_1324 : vector<7x1x1xi1> to vector<7x1x1xi32>
      %convert_element_type3A_1326 = arith.sitofp %convert_element_type3A_1325 : vector<7x1x1xi32> to vector<7x1x1xf32>
      %eq3A_1327 = vector.broadcast %scan3A_1314 : i32 to vector<7x1x256xi32>
      %eq3A_1328 = arith.cmpi eq, %iota3A_140, %eq3A_1327 : vector<7x1x256xi32>
      %convert_element_type3A_1329 = arith.extui %eq3A_1328 : vector<7x1x256xi1> to vector<7x1x256xi32>
      %convert_element_type3A_1330 = arith.sitofp %convert_element_type3A_1329 : vector<7x1x256xi32> to vector<7x1x256xf32>
      %mul3A_1331 = arith.mulf %convert_element_type3A_1330, %select_n3A_938 : vector<7x1x256xf32>
      %mul3A_1332 = vector.broadcast %convert_element_type3A_1326 : vector<7x1x1xf32> to vector<7x1x256xf32>
      %mul3A_1333 = arith.mulf %mul3A_1331, %mul3A_1332 : vector<7x1x256xf32>
      %add3A_1334 = arith.addf %scan3A_1315, %mul3A_1333 : vector<7x1x256xf32>
      scf.yield %add3A_1334 : vector<7x1x256xf32>
    }
    %scan3A_990 = arith.constant 256 : i32
    %slice3A_991 = vector.extract_strided_slice %sub3A {offsets = [0, 0, 1536], sizes = [7, 1, 256], strides = [1, 1, 1]} : vector<7x1x2048xf32> to vector<7x1x256xf32>
    %slice3A_992 = vector.extract_strided_slice %sub3A_119 {offsets = [0, 0, 1536], sizes = [7, 1, 256], strides = [1, 1, 1]} : vector<7x1x2048xf32> to vector<7x1x256xf32>
    %slice3A_993 = vector.extract_strided_slice %sub3A_123 {offsets = [0, 0, 1536], sizes = [7, 1, 256], strides = [1, 1, 1]} : vector<7x1x2048xf32> to vector<7x1x256xf32>
    %slice3A_994 = vector.extract_strided_slice %add3A_127 {offsets = [0, 0, 1536], sizes = [7, 1, 256], strides = [1, 1, 1]} : vector<7x1x2048xf32> to vector<7x1x256xf32>
    %slice3A_995 = vector.extract_strided_slice %add3A_131 {offsets = [0, 0, 1536], sizes = [7, 1, 256], strides = [1, 1, 1]} : vector<7x1x2048xf32> to vector<7x1x256xf32>
    %slice3A_996 = vector.extract_strided_slice %add3A_135 {offsets = [0, 0, 1536], sizes = [7, 1, 256], strides = [1, 1, 1]} : vector<7x1x2048xf32> to vector<7x1x256xf32>
    %slice3A_997 = vector.extract_strided_slice %mul3A_137 {offsets = [0, 0, 1536], sizes = [7, 1, 256], strides = [1, 1, 1]} : vector<7x1x2048xf32> to vector<7x1x256xf32>
    %dot_general3A_998 = arith.constant dense<0.000000e+00> : vector<7x256x1xf32>
    %dot_general3A_999 = tpu.matmul %convert_element_type3A_139, %slice3A_991, %dot_general3A_998 {dimension_numbers = #tpu.dot_dimension_numbers<[2], [2], [1], [1], [0, 0, 0, 1, 1, 1], [0], [0]>, transpose_lhs_hint = false} : vector<7x256x256xf32>, vector<7x1x256xf32>, vector<7x256x1xf32> -> vector<7x256x1xf32>
    %dot_general3A_1000 = arith.constant dense<0.000000e+00> : vector<7x256x1xf32>
    %dot_general3A_1001 = tpu.matmul %convert_element_type3A_139, %slice3A_992, %dot_general3A_1000 {dimension_numbers = #tpu.dot_dimension_numbers<[2], [2], [1], [1], [0, 0, 0, 1, 1, 1], [0], [0]>, transpose_lhs_hint = false} : vector<7x256x256xf32>, vector<7x1x256xf32>, vector<7x256x1xf32> -> vector<7x256x1xf32>
    %dot_general3A_1002 = arith.constant dense<0.000000e+00> : vector<7x256x1xf32>
    %dot_general3A_1003 = tpu.matmul %convert_element_type3A_139, %slice3A_993, %dot_general3A_1002 {dimension_numbers = #tpu.dot_dimension_numbers<[2], [2], [1], [1], [0, 0, 0, 1, 1, 1], [0], [0]>, transpose_lhs_hint = false} : vector<7x256x256xf32>, vector<7x1x256xf32>, vector<7x256x1xf32> -> vector<7x256x1xf32>
    %dot_general3A_1004 = arith.constant dense<0.000000e+00> : vector<7x256x1xf32>
    %dot_general3A_1005 = tpu.matmul %convert_element_type3A_139, %slice3A_994, %dot_general3A_1004 {dimension_numbers = #tpu.dot_dimension_numbers<[2], [2], [1], [1], [0, 0, 0, 1, 1, 1], [0], [0]>, transpose_lhs_hint = false} : vector<7x256x256xf32>, vector<7x1x256xf32>, vector<7x256x1xf32> -> vector<7x256x1xf32>
    %dot_general3A_1006 = arith.constant dense<0.000000e+00> : vector<7x256x1xf32>
    %dot_general3A_1007 = tpu.matmul %convert_element_type3A_139, %slice3A_995, %dot_general3A_1006 {dimension_numbers = #tpu.dot_dimension_numbers<[2], [2], [1], [1], [0, 0, 0, 1, 1, 1], [0], [0]>, transpose_lhs_hint = false} : vector<7x256x256xf32>, vector<7x1x256xf32>, vector<7x256x1xf32> -> vector<7x256x1xf32>
    %dot_general3A_1008 = arith.constant dense<0.000000e+00> : vector<7x256x1xf32>
    %dot_general3A_1009 = tpu.matmul %convert_element_type3A_139, %slice3A_996, %dot_general3A_1008 {dimension_numbers = #tpu.dot_dimension_numbers<[2], [2], [1], [1], [0, 0, 0, 1, 1, 1], [0], [0]>, transpose_lhs_hint = false} : vector<7x256x256xf32>, vector<7x1x256xf32>, vector<7x256x1xf32> -> vector<7x256x1xf32>
    %dot_general3A_1010 = arith.constant dense<0.000000e+00> : vector<7x256x1xf32>
    %dot_general3A_1011 = tpu.matmul %convert_element_type3A_139, %slice3A_997, %dot_general3A_1010 {dimension_numbers = #tpu.dot_dimension_numbers<[2], [2], [1], [1], [0, 0, 0, 1, 1, 1], [0], [0]>, transpose_lhs_hint = false} : vector<7x256x256xf32>, vector<7x1x256xf32>, vector<7x256x1xf32> -> vector<7x256x1xf32>
    %slice3A_1012 = vector.extract_strided_slice %get3A_2 {offsets = [0, 0, 1536], sizes = [7, 1, 256], strides = [1, 1, 1]} : vector<7x1x2048xf32> to vector<7x1x256xf32>
    %gt3A_1013 = arith.constant 0.000000e+00 : f32
    %gt3A_1014 = vector.broadcast %gt3A_1013 : f32 to vector<7x1x256xf32>
    %gt3A_1015 = arith.cmpf ogt, %slice3A_1012, %gt3A_1014 : vector<7x1x256xf32>
    %convert_element_type3A_1016 = arith.extui %gt3A_1015 : vector<7x1x256xi1> to vector<7x1x256xi32>
    %convert_element_type3A_1017 = arith.sitofp %convert_element_type3A_1016 : vector<7x1x256xi32> to vector<7x1x256xf32>
    %slice3A_1018 = vector.extract_strided_slice %sub3A {offsets = [0, 0, 0], sizes = [7, 1, 1536], strides = [1, 1, 1]} : vector<7x1x2048xf32> to vector<7x1x1536xf32>
    %slice3A_1019 = vector.extract_strided_slice %sub3A_119 {offsets = [0, 0, 0], sizes = [7, 1, 1536], strides = [1, 1, 1]} : vector<7x1x2048xf32> to vector<7x1x1536xf32>
    %slice3A_1020 = vector.extract_strided_slice %sub3A_123 {offsets = [0, 0, 0], sizes = [7, 1, 1536], strides = [1, 1, 1]} : vector<7x1x2048xf32> to vector<7x1x1536xf32>
    %slice3A_1021 = vector.extract_strided_slice %add3A_127 {offsets = [0, 0, 0], sizes = [7, 1, 1536], strides = [1, 1, 1]} : vector<7x1x2048xf32> to vector<7x1x1536xf32>
    %slice3A_1022 = vector.extract_strided_slice %add3A_131 {offsets = [0, 0, 0], sizes = [7, 1, 1536], strides = [1, 1, 1]} : vector<7x1x2048xf32> to vector<7x1x1536xf32>
    %slice3A_1023 = vector.extract_strided_slice %add3A_135 {offsets = [0, 0, 0], sizes = [7, 1, 1536], strides = [1, 1, 1]} : vector<7x1x2048xf32> to vector<7x1x1536xf32>
    %slice3A_1024 = vector.extract_strided_slice %mul3A_137 {offsets = [0, 0, 0], sizes = [7, 1, 1536], strides = [1, 1, 1]} : vector<7x1x2048xf32> to vector<7x1x1536xf32>
    %concatenate3A_1025 = tpu.concatenate %scan3A_213, %scan3A_365, %scan3A_521, %scan3A_677, %scan3A_833, %scan3A_989 in 2 : vector<7x1x256xf32>, vector<7x1x256xf32>, vector<7x1x256xf32>, vector<7x1x256xf32>, vector<7x1x256xf32>, vector<7x1x256xf32> -> vector<7x1x1536xf32>
    %min3A_1026 = vector.broadcast %dot_general3A_1005 : vector<7x256x1xf32> to vector<7x256x1536xf32>
    %min3A_1027 = vector.broadcast %slice3A_1021 : vector<7x1x1536xf32> to vector<7x256x1536xf32>
    %min3A_1028 = arith.minimumf %min3A_1026, %min3A_1027 : vector<7x256x1536xf32>
    %max3A_1029 = vector.broadcast %dot_general3A_999 : vector<7x256x1xf32> to vector<7x256x1536xf32>
    %max3A_1030 = vector.broadcast %slice3A_1018 : vector<7x1x1536xf32> to vector<7x256x1536xf32>
    %max3A_1031 = arith.maximumf %max3A_1029, %max3A_1030 : vector<7x256x1536xf32>
    %sub3A_1032 = arith.subf %min3A_1028, %max3A_1031 : vector<7x256x1536xf32>
    %jit3A_1033 = arith.constant 0.000000e+00 : f32
    %max3A_1034 = vector.broadcast %jit3A_1033 : f32 to vector<7x256x1536xf32>
    %max3A_1035 = arith.maximumf %max3A_1034, %sub3A_1032 : vector<7x256x1536xf32>
    %min3A_1036 = vector.broadcast %dot_general3A_1007 : vector<7x256x1xf32> to vector<7x256x1536xf32>
    %min3A_1037 = vector.broadcast %slice3A_1022 : vector<7x1x1536xf32> to vector<7x256x1536xf32>
    %min3A_1038 = arith.minimumf %min3A_1036, %min3A_1037 : vector<7x256x1536xf32>
    %max3A_1039 = vector.broadcast %dot_general3A_1001 : vector<7x256x1xf32> to vector<7x256x1536xf32>
    %max3A_1040 = vector.broadcast %slice3A_1019 : vector<7x1x1536xf32> to vector<7x256x1536xf32>
    %max3A_1041 = arith.maximumf %max3A_1039, %max3A_1040 : vector<7x256x1536xf32>
    %sub3A_1042 = arith.subf %min3A_1038, %max3A_1041 : vector<7x256x1536xf32>
    %jit3A_1043 = arith.constant 0.000000e+00 : f32
    %max3A_1044 = vector.broadcast %jit3A_1043 : f32 to vector<7x256x1536xf32>
    %max3A_1045 = arith.maximumf %max3A_1044, %sub3A_1042 : vector<7x256x1536xf32>
    %min3A_1046 = vector.broadcast %dot_general3A_1009 : vector<7x256x1xf32> to vector<7x256x1536xf32>
    %min3A_1047 = vector.broadcast %slice3A_1023 : vector<7x1x1536xf32> to vector<7x256x1536xf32>
    %min3A_1048 = arith.minimumf %min3A_1046, %min3A_1047 : vector<7x256x1536xf32>
    %max3A_1049 = vector.broadcast %dot_general3A_1003 : vector<7x256x1xf32> to vector<7x256x1536xf32>
    %max3A_1050 = vector.broadcast %slice3A_1020 : vector<7x1x1536xf32> to vector<7x256x1536xf32>
    %max3A_1051 = arith.maximumf %max3A_1049, %max3A_1050 : vector<7x256x1536xf32>
    %sub3A_1052 = arith.subf %min3A_1048, %max3A_1051 : vector<7x256x1536xf32>
    %jit3A_1053 = arith.constant 0.000000e+00 : f32
    %max3A_1054 = vector.broadcast %jit3A_1053 : f32 to vector<7x256x1536xf32>
    %max3A_1055 = arith.maximumf %max3A_1054, %sub3A_1052 : vector<7x256x1536xf32>
    %mul3A_1056 = arith.mulf %max3A_1035, %max3A_1045 : vector<7x256x1536xf32>
    %mul3A_1057 = arith.mulf %mul3A_1056, %max3A_1055 : vector<7x256x1536xf32>
    %add3A_1058 = vector.broadcast %dot_general3A_1011 : vector<7x256x1xf32> to vector<7x256x1536xf32>
    %add3A_1059 = vector.broadcast %slice3A_1024 : vector<7x1x1536xf32> to vector<7x256x1536xf32>
    %add3A_1060 = arith.addf %add3A_1058, %add3A_1059 : vector<7x256x1536xf32>
    %sub3A_1061 = arith.subf %add3A_1060, %mul3A_1057 : vector<7x256x1536xf32>
    %add3A_1062 = arith.constant 9.99999997E-7 : f32
    %add3A_1063 = vector.broadcast %add3A_1062 : f32 to vector<7x256x1536xf32>
    %add3A_1064 = arith.addf %sub3A_1061, %add3A_1063 : vector<7x256x1536xf32>
    %div3A_1065 = arith.divf %mul3A_1057, %add3A_1064 : vector<7x256x1536xf32>
    %gt3A_1066 = arith.constant 5.000000e-01 : f32
    %gt3A_1067 = vector.broadcast %gt3A_1066 : f32 to vector<7x256x1536xf32>
    %gt3A_1068 = arith.cmpf ogt, %div3A_1065, %gt3A_1067 : vector<7x256x1536xf32>
    %gt3A_1069 = arith.constant 5.000000e-01 : f32
    %gt3A_1070 = vector.broadcast %gt3A_1069 : f32 to vector<7x1x1536xf32>
    %gt3A_1071 = arith.cmpf ogt, %concatenate3A_1025, %gt3A_1070 : vector<7x1x1536xf32>
    %and3A_1072 = vector.broadcast %gt3A_1071 : vector<7x1x1536xi1> to vector<7x256x1536xi1>
    %and3A_1073 = arith.andi %gt3A_1068, %and3A_1072 : vector<7x256x1536xi1>
    %reduce_or3A_1074 = arith.constant 1.000000e+00 : f32
    %reduce_or3A_1075 = arith.constant 0.000000e+00 : f32
    %reduce_or3A_1076 = vector.broadcast %reduce_or3A_1074 : f32 to vector<7x256x1536xf32>
    %reduce_or3A_1077 = vector.broadcast %reduce_or3A_1075 : f32 to vector<7x256x1536xf32>
    %reduce_or3A_1078 = arith.select %and3A_1073, %reduce_or3A_1076, %reduce_or3A_1077 : vector<7x256x1536xi1>, vector<7x256x1536xf32>
    %reduce_or3A_1079 = arith.constant dense<0xFF800000> : vector<7x256xf32>
    %reduce_or3A_1080 = vector.multi_reduction <maximumf>, %reduce_or3A_1078, %reduce_or3A_1079 [2] : vector<7x256x1536xf32> to vector<7x256xf32>
    %reduce_or3A_1081 = arith.constant 0.000000e+00 : f32
    %reduce_or3A_1082 = vector.broadcast %reduce_or3A_1081 : f32 to vector<7x256xf32>
    %reduce_or3A_1083 = arith.cmpf ogt, %reduce_or3A_1080, %reduce_or3A_1082 : vector<7x256xf32>
    %broadcast_in_dim3A_1084 = vector.shape_cast %reduce_or3A_1083 : vector<7x256xi1> to vector<7x256x1xi1>
    %convert_element_type3A_1085 = arith.extui %broadcast_in_dim3A_1084 : vector<7x256x1xi1> to vector<7x256x1xi32>
    %convert_element_type3A_1086 = arith.sitofp %convert_element_type3A_1085 : vector<7x256x1xi32> to vector<7x256x1xf32>
    %dot_general3A_1087 = arith.constant dense<0.000000e+00> : vector<7x1x256xf32>
    %dot_general3A_1088 = tpu.matmul %convert_element_type3A_1086, %convert_element_type3A_139, %dot_general3A_1087 {dimension_numbers = #tpu.dot_dimension_numbers<[1], [1], [2], [2], [0, 0, 0, 2, 1, 2], [0], [0]>, transpose_lhs_hint = false} : vector<7x256x1xf32>, vector<7x256x256xf32>, vector<7x1x256xf32> -> vector<7x1x256xf32>
    %gt3A_1089 = arith.constant 5.000000e-01 : f32
    %gt3A_1090 = vector.broadcast %gt3A_1089 : f32 to vector<7x1x256xf32>
    %gt3A_1091 = arith.cmpf ogt, %dot_general3A_1088, %gt3A_1090 : vector<7x1x256xf32>
    %jit3A_1092 = arith.constant 0.000000e+00 : f32
    %broadcast_in_dim3A_1093 = vector.broadcast %jit3A_1092 : f32 to vector<7x1x256xf32>
    %select_n3A_1094 = arith.select %gt3A_1091, %broadcast_in_dim3A_1093, %convert_element_type3A_1017 : vector<7x1x256xi1>, vector<7x1x256xf32>
    %min3A_1095 = vector.broadcast %dot_general3A_1005 : vector<7x256x1xf32> to vector<7x256x256xf32>
    %min3A_1096 = vector.broadcast %slice3A_994 : vector<7x1x256xf32> to vector<7x256x256xf32>
    %min3A_1097 = arith.minimumf %min3A_1095, %min3A_1096 : vector<7x256x256xf32>
    %max3A_1098 = vector.broadcast %dot_general3A_999 : vector<7x256x1xf32> to vector<7x256x256xf32>
    %max3A_1099 = vector.broadcast %slice3A_991 : vector<7x1x256xf32> to vector<7x256x256xf32>
    %max3A_1100 = arith.maximumf %max3A_1098, %max3A_1099 : vector<7x256x256xf32>
    %sub3A_1101 = arith.subf %min3A_1097, %max3A_1100 : vector<7x256x256xf32>
    %jit3A_1102 = arith.constant 0.000000e+00 : f32
    %max3A_1103 = vector.broadcast %jit3A_1102 : f32 to vector<7x256x256xf32>
    %max3A_1104 = arith.maximumf %max3A_1103, %sub3A_1101 : vector<7x256x256xf32>
    %min3A_1105 = vector.broadcast %dot_general3A_1007 : vector<7x256x1xf32> to vector<7x256x256xf32>
    %min3A_1106 = vector.broadcast %slice3A_995 : vector<7x1x256xf32> to vector<7x256x256xf32>
    %min3A_1107 = arith.minimumf %min3A_1105, %min3A_1106 : vector<7x256x256xf32>
    %max3A_1108 = vector.broadcast %dot_general3A_1001 : vector<7x256x1xf32> to vector<7x256x256xf32>
    %max3A_1109 = vector.broadcast %slice3A_992 : vector<7x1x256xf32> to vector<7x256x256xf32>
    %max3A_1110 = arith.maximumf %max3A_1108, %max3A_1109 : vector<7x256x256xf32>
    %sub3A_1111 = arith.subf %min3A_1107, %max3A_1110 : vector<7x256x256xf32>
    %jit3A_1112 = arith.constant 0.000000e+00 : f32
    %max3A_1113 = vector.broadcast %jit3A_1112 : f32 to vector<7x256x256xf32>
    %max3A_1114 = arith.maximumf %max3A_1113, %sub3A_1111 : vector<7x256x256xf32>
    %min3A_1115 = vector.broadcast %dot_general3A_1009 : vector<7x256x1xf32> to vector<7x256x256xf32>
    %min3A_1116 = vector.broadcast %slice3A_996 : vector<7x1x256xf32> to vector<7x256x256xf32>
    %min3A_1117 = arith.minimumf %min3A_1115, %min3A_1116 : vector<7x256x256xf32>
    %max3A_1118 = vector.broadcast %dot_general3A_1003 : vector<7x256x1xf32> to vector<7x256x256xf32>
    %max3A_1119 = vector.broadcast %slice3A_993 : vector<7x1x256xf32> to vector<7x256x256xf32>
    %max3A_1120 = arith.maximumf %max3A_1118, %max3A_1119 : vector<7x256x256xf32>
    %sub3A_1121 = arith.subf %min3A_1117, %max3A_1120 : vector<7x256x256xf32>
    %jit3A_1122 = arith.constant 0.000000e+00 : f32
    %max3A_1123 = vector.broadcast %jit3A_1122 : f32 to vector<7x256x256xf32>
    %max3A_1124 = arith.maximumf %max3A_1123, %sub3A_1121 : vector<7x256x256xf32>
    %mul3A_1125 = arith.mulf %max3A_1104, %max3A_1114 : vector<7x256x256xf32>
    %mul3A_1126 = arith.mulf %mul3A_1125, %max3A_1124 : vector<7x256x256xf32>
    %add3A_1127 = vector.broadcast %dot_general3A_1011 : vector<7x256x1xf32> to vector<7x256x256xf32>
    %add3A_1128 = vector.broadcast %slice3A_997 : vector<7x1x256xf32> to vector<7x256x256xf32>
    %add3A_1129 = arith.addf %add3A_1127, %add3A_1128 : vector<7x256x256xf32>
    %sub3A_1130 = arith.subf %add3A_1129, %mul3A_1126 : vector<7x256x256xf32>
    %add3A_1131 = arith.constant 9.99999997E-7 : f32
    %add3A_1132 = vector.broadcast %add3A_1131 : f32 to vector<7x256x256xf32>
    %add3A_1133 = arith.addf %sub3A_1130, %add3A_1132 : vector<7x256x256xf32>
    %div3A_1134 = arith.divf %mul3A_1126, %add3A_1133 : vector<7x256x256xf32>
    %swap3A_1135 = arith.constant 0 : index
    %swap3A_1136 = arith.constant 0 : index
    %swap3A_1137 = arith.constant 0 : index
    %swap3A_1138 = vector.load %arg5[%swap3A_1135, %swap3A_1136, %swap3A_1137] : memref<7x256x256xf32, #tpu.memory_space<vmem>>, vector<7x256x256xf32>
    tpu.vector_store %arg5[%swap3A_1135, %swap3A_1136, %swap3A_1137], %div3A_1134 {strides = array<i32>} : memref<7x256x256xf32, #tpu.memory_space<vmem>>, vector<7x256x256xf32>,
    %broadcast_in_dim3A_1139 = arith.constant 0.000000e+00 : f32
    %broadcast_in_dim3A_1140 = vector.broadcast %broadcast_in_dim3A_1139 : f32 to vector<7x1x256xf32>
    %scan3A_1141 = arith.constant 0 : i32
    %scan3A_1142 = arith.constant 256 : i32
    %scan3A_1143 = arith.addi %scan3A_1141, %scan3A_1142 : i32
    %scan3A_1144 = arith.constant 1 : i32
    %scan3A_1145 = scf.for %scan3A_1314 = %scan3A_1141 to %scan3A_1143 step %scan3A_1144 iter_args(%scan3A_1315 = %broadcast_in_dim3A_1140) -> (vector<7x1x256xf32>)  : i32 {
      %get3A_1316 = arith.constant 0 : index
      %get3A_1317 = arith.index_cast %scan3A_1314 : i32 to index
      %get3A_1318 = arith.constant 0 : index
      %get3A_1319 = vector.load %arg5[%get3A_1316, %get3A_1317, %get3A_1318] : memref<7x256x256xf32, #tpu.memory_space<vmem>>, vector<7x1x256xf32>
      %mul3A_1320 = arith.mulf %get3A_1319, %scan3A_1315 : vector<7x1x256xf32>
      %reduce_max3A = arith.constant dense<0xFF800000> : vector<7x1xf32>
      %reduce_max3A_1321 = vector.multi_reduction <maximumf>, %mul3A_1320, %reduce_max3A [2] : vector<7x1x256xf32> to vector<7x1xf32>
      %broadcast_in_dim3A_1322 = vector.shape_cast %reduce_max3A_1321 : vector<7x1xf32> to vector<7x1x1xf32>
      %le3A = arith.constant 5.000000e-01 : f32
      %le3A_1323 = vector.broadcast %le3A : f32 to vector<7x1x1xf32>
      %le3A_1324 = arith.cmpf ole, %broadcast_in_dim3A_1322, %le3A_1323 : vector<7x1x1xf32>
      %convert_element_type3A_1325 = arith.extui %le3A_1324 : vector<7x1x1xi1> to vector<7x1x1xi32>
      %convert_element_type3A_1326 = arith.sitofp %convert_element_type3A_1325 : vector<7x1x1xi32> to vector<7x1x1xf32>
      %eq3A_1327 = vector.broadcast %scan3A_1314 : i32 to vector<7x1x256xi32>
      %eq3A_1328 = arith.cmpi eq, %iota3A_140, %eq3A_1327 : vector<7x1x256xi32>
      %convert_element_type3A_1329 = arith.extui %eq3A_1328 : vector<7x1x256xi1> to vector<7x1x256xi32>
      %convert_element_type3A_1330 = arith.sitofp %convert_element_type3A_1329 : vector<7x1x256xi32> to vector<7x1x256xf32>
      %mul3A_1331 = arith.mulf %convert_element_type3A_1330, %select_n3A_1094 : vector<7x1x256xf32>
      %mul3A_1332 = vector.broadcast %convert_element_type3A_1326 : vector<7x1x1xf32> to vector<7x1x256xf32>
      %mul3A_1333 = arith.mulf %mul3A_1331, %mul3A_1332 : vector<7x1x256xf32>
      %add3A_1334 = arith.addf %scan3A_1315, %mul3A_1333 : vector<7x1x256xf32>
      scf.yield %add3A_1334 : vector<7x1x256xf32>
    }
    %scan3A_1146 = arith.constant 256 : i32
    %slice3A_1147 = vector.extract_strided_slice %sub3A {offsets = [0, 0, 1792], sizes = [7, 1, 256], strides = [1, 1, 1]} : vector<7x1x2048xf32> to vector<7x1x256xf32>
    %slice3A_1148 = vector.extract_strided_slice %sub3A_119 {offsets = [0, 0, 1792], sizes = [7, 1, 256], strides = [1, 1, 1]} : vector<7x1x2048xf32> to vector<7x1x256xf32>
    %slice3A_1149 = vector.extract_strided_slice %sub3A_123 {offsets = [0, 0, 1792], sizes = [7, 1, 256], strides = [1, 1, 1]} : vector<7x1x2048xf32> to vector<7x1x256xf32>
    %slice3A_1150 = vector.extract_strided_slice %add3A_127 {offsets = [0, 0, 1792], sizes = [7, 1, 256], strides = [1, 1, 1]} : vector<7x1x2048xf32> to vector<7x1x256xf32>
    %slice3A_1151 = vector.extract_strided_slice %add3A_131 {offsets = [0, 0, 1792], sizes = [7, 1, 256], strides = [1, 1, 1]} : vector<7x1x2048xf32> to vector<7x1x256xf32>
    %slice3A_1152 = vector.extract_strided_slice %add3A_135 {offsets = [0, 0, 1792], sizes = [7, 1, 256], strides = [1, 1, 1]} : vector<7x1x2048xf32> to vector<7x1x256xf32>
    %slice3A_1153 = vector.extract_strided_slice %mul3A_137 {offsets = [0, 0, 1792], sizes = [7, 1, 256], strides = [1, 1, 1]} : vector<7x1x2048xf32> to vector<7x1x256xf32>
    %dot_general3A_1154 = arith.constant dense<0.000000e+00> : vector<7x256x1xf32>
    %dot_general3A_1155 = tpu.matmul %convert_element_type3A_139, %slice3A_1147, %dot_general3A_1154 {dimension_numbers = #tpu.dot_dimension_numbers<[2], [2], [1], [1], [0, 0, 0, 1, 1, 1], [0], [0]>, transpose_lhs_hint = false} : vector<7x256x256xf32>, vector<7x1x256xf32>, vector<7x256x1xf32> -> vector<7x256x1xf32>
    %dot_general3A_1156 = arith.constant dense<0.000000e+00> : vector<7x256x1xf32>
    %dot_general3A_1157 = tpu.matmul %convert_element_type3A_139, %slice3A_1148, %dot_general3A_1156 {dimension_numbers = #tpu.dot_dimension_numbers<[2], [2], [1], [1], [0, 0, 0, 1, 1, 1], [0], [0]>, transpose_lhs_hint = false} : vector<7x256x256xf32>, vector<7x1x256xf32>, vector<7x256x1xf32> -> vector<7x256x1xf32>
    %dot_general3A_1158 = arith.constant dense<0.000000e+00> : vector<7x256x1xf32>
    %dot_general3A_1159 = tpu.matmul %convert_element_type3A_139, %slice3A_1149, %dot_general3A_1158 {dimension_numbers = #tpu.dot_dimension_numbers<[2], [2], [1], [1], [0, 0, 0, 1, 1, 1], [0], [0]>, transpose_lhs_hint = false} : vector<7x256x256xf32>, vector<7x1x256xf32>, vector<7x256x1xf32> -> vector<7x256x1xf32>
    %dot_general3A_1160 = arith.constant dense<0.000000e+00> : vector<7x256x1xf32>
    %dot_general3A_1161 = tpu.matmul %convert_element_type3A_139, %slice3A_1150, %dot_general3A_1160 {dimension_numbers = #tpu.dot_dimension_numbers<[2], [2], [1], [1], [0, 0, 0, 1, 1, 1], [0], [0]>, transpose_lhs_hint = false} : vector<7x256x256xf32>, vector<7x1x256xf32>, vector<7x256x1xf32> -> vector<7x256x1xf32>
    %dot_general3A_1162 = arith.constant dense<0.000000e+00> : vector<7x256x1xf32>
    %dot_general3A_1163 = tpu.matmul %convert_element_type3A_139, %slice3A_1151, %dot_general3A_1162 {dimension_numbers = #tpu.dot_dimension_numbers<[2], [2], [1], [1], [0, 0, 0, 1, 1, 1], [0], [0]>, transpose_lhs_hint = false} : vector<7x256x256xf32>, vector<7x1x256xf32>, vector<7x256x1xf32> -> vector<7x256x1xf32>
    %dot_general3A_1164 = arith.constant dense<0.000000e+00> : vector<7x256x1xf32>
    %dot_general3A_1165 = tpu.matmul %convert_element_type3A_139, %slice3A_1152, %dot_general3A_1164 {dimension_numbers = #tpu.dot_dimension_numbers<[2], [2], [1], [1], [0, 0, 0, 1, 1, 1], [0], [0]>, transpose_lhs_hint = false} : vector<7x256x256xf32>, vector<7x1x256xf32>, vector<7x256x1xf32> -> vector<7x256x1xf32>
    %dot_general3A_1166 = arith.constant dense<0.000000e+00> : vector<7x256x1xf32>
    %dot_general3A_1167 = tpu.matmul %convert_element_type3A_139, %slice3A_1153, %dot_general3A_1166 {dimension_numbers = #tpu.dot_dimension_numbers<[2], [2], [1], [1], [0, 0, 0, 1, 1, 1], [0], [0]>, transpose_lhs_hint = false} : vector<7x256x256xf32>, vector<7x1x256xf32>, vector<7x256x1xf32> -> vector<7x256x1xf32>
    %slice3A_1168 = vector.extract_strided_slice %get3A_2 {offsets = [0, 0, 1792], sizes = [7, 1, 256], strides = [1, 1, 1]} : vector<7x1x2048xf32> to vector<7x1x256xf32>
    %gt3A_1169 = arith.constant 0.000000e+00 : f32
    %gt3A_1170 = vector.broadcast %gt3A_1169 : f32 to vector<7x1x256xf32>
    %gt3A_1171 = arith.cmpf ogt, %slice3A_1168, %gt3A_1170 : vector<7x1x256xf32>
    %convert_element_type3A_1172 = arith.extui %gt3A_1171 : vector<7x1x256xi1> to vector<7x1x256xi32>
    %convert_element_type3A_1173 = arith.sitofp %convert_element_type3A_1172 : vector<7x1x256xi32> to vector<7x1x256xf32>
    %slice3A_1174 = vector.extract_strided_slice %sub3A {offsets = [0, 0, 0], sizes = [7, 1, 1792], strides = [1, 1, 1]} : vector<7x1x2048xf32> to vector<7x1x1792xf32>
    %slice3A_1175 = vector.extract_strided_slice %sub3A_119 {offsets = [0, 0, 0], sizes = [7, 1, 1792], strides = [1, 1, 1]} : vector<7x1x2048xf32> to vector<7x1x1792xf32>
    %slice3A_1176 = vector.extract_strided_slice %sub3A_123 {offsets = [0, 0, 0], sizes = [7, 1, 1792], strides = [1, 1, 1]} : vector<7x1x2048xf32> to vector<7x1x1792xf32>
    %slice3A_1177 = vector.extract_strided_slice %add3A_127 {offsets = [0, 0, 0], sizes = [7, 1, 1792], strides = [1, 1, 1]} : vector<7x1x2048xf32> to vector<7x1x1792xf32>
    %slice3A_1178 = vector.extract_strided_slice %add3A_131 {offsets = [0, 0, 0], sizes = [7, 1, 1792], strides = [1, 1, 1]} : vector<7x1x2048xf32> to vector<7x1x1792xf32>
    %slice3A_1179 = vector.extract_strided_slice %add3A_135 {offsets = [0, 0, 0], sizes = [7, 1, 1792], strides = [1, 1, 1]} : vector<7x1x2048xf32> to vector<7x1x1792xf32>
    %slice3A_1180 = vector.extract_strided_slice %mul3A_137 {offsets = [0, 0, 0], sizes = [7, 1, 1792], strides = [1, 1, 1]} : vector<7x1x2048xf32> to vector<7x1x1792xf32>
    %concatenate3A_1181 = tpu.concatenate %scan3A_213, %scan3A_365, %scan3A_521, %scan3A_677, %scan3A_833, %scan3A_989, %scan3A_1145 in 2 : vector<7x1x256xf32>, vector<7x1x256xf32>, vector<7x1x256xf32>, vector<7x1x256xf32>, vector<7x1x256xf32>, vector<7x1x256xf32>, vector<7x1x256xf32> -> vector<7x1x1792xf32>
    %min3A_1182 = vector.broadcast %dot_general3A_1161 : vector<7x256x1xf32> to vector<7x256x1792xf32>
    %min3A_1183 = vector.broadcast %slice3A_1177 : vector<7x1x1792xf32> to vector<7x256x1792xf32>
    %min3A_1184 = arith.minimumf %min3A_1182, %min3A_1183 : vector<7x256x1792xf32>
    %max3A_1185 = vector.broadcast %dot_general3A_1155 : vector<7x256x1xf32> to vector<7x256x1792xf32>
    %max3A_1186 = vector.broadcast %slice3A_1174 : vector<7x1x1792xf32> to vector<7x256x1792xf32>
    %max3A_1187 = arith.maximumf %max3A_1185, %max3A_1186 : vector<7x256x1792xf32>
    %sub3A_1188 = arith.subf %min3A_1184, %max3A_1187 : vector<7x256x1792xf32>
    %jit3A_1189 = arith.constant 0.000000e+00 : f32
    %max3A_1190 = vector.broadcast %jit3A_1189 : f32 to vector<7x256x1792xf32>
    %max3A_1191 = arith.maximumf %max3A_1190, %sub3A_1188 : vector<7x256x1792xf32>
    %min3A_1192 = vector.broadcast %dot_general3A_1163 : vector<7x256x1xf32> to vector<7x256x1792xf32>
    %min3A_1193 = vector.broadcast %slice3A_1178 : vector<7x1x1792xf32> to vector<7x256x1792xf32>
    %min3A_1194 = arith.minimumf %min3A_1192, %min3A_1193 : vector<7x256x1792xf32>
    %max3A_1195 = vector.broadcast %dot_general3A_1157 : vector<7x256x1xf32> to vector<7x256x1792xf32>
    %max3A_1196 = vector.broadcast %slice3A_1175 : vector<7x1x1792xf32> to vector<7x256x1792xf32>
    %max3A_1197 = arith.maximumf %max3A_1195, %max3A_1196 : vector<7x256x1792xf32>
    %sub3A_1198 = arith.subf %min3A_1194, %max3A_1197 : vector<7x256x1792xf32>
    %jit3A_1199 = arith.constant 0.000000e+00 : f32
    %max3A_1200 = vector.broadcast %jit3A_1199 : f32 to vector<7x256x1792xf32>
    %max3A_1201 = arith.maximumf %max3A_1200, %sub3A_1198 : vector<7x256x1792xf32>
    %min3A_1202 = vector.broadcast %dot_general3A_1165 : vector<7x256x1xf32> to vector<7x256x1792xf32>
    %min3A_1203 = vector.broadcast %slice3A_1179 : vector<7x1x1792xf32> to vector<7x256x1792xf32>
    %min3A_1204 = arith.minimumf %min3A_1202, %min3A_1203 : vector<7x256x1792xf32>
    %max3A_1205 = vector.broadcast %dot_general3A_1159 : vector<7x256x1xf32> to vector<7x256x1792xf32>
    %max3A_1206 = vector.broadcast %slice3A_1176 : vector<7x1x1792xf32> to vector<7x256x1792xf32>
    %max3A_1207 = arith.maximumf %max3A_1205, %max3A_1206 : vector<7x256x1792xf32>
    %sub3A_1208 = arith.subf %min3A_1204, %max3A_1207 : vector<7x256x1792xf32>
    %jit3A_1209 = arith.constant 0.000000e+00 : f32
    %max3A_1210 = vector.broadcast %jit3A_1209 : f32 to vector<7x256x1792xf32>
    %max3A_1211 = arith.maximumf %max3A_1210, %sub3A_1208 : vector<7x256x1792xf32>
    %mul3A_1212 = arith.mulf %max3A_1191, %max3A_1201 : vector<7x256x1792xf32>
    %mul3A_1213 = arith.mulf %mul3A_1212, %max3A_1211 : vector<7x256x1792xf32>
    %add3A_1214 = vector.broadcast %dot_general3A_1167 : vector<7x256x1xf32> to vector<7x256x1792xf32>
    %add3A_1215 = vector.broadcast %slice3A_1180 : vector<7x1x1792xf32> to vector<7x256x1792xf32>
    %add3A_1216 = arith.addf %add3A_1214, %add3A_1215 : vector<7x256x1792xf32>
    %sub3A_1217 = arith.subf %add3A_1216, %mul3A_1213 : vector<7x256x1792xf32>
    %add3A_1218 = arith.constant 9.99999997E-7 : f32
    %add3A_1219 = vector.broadcast %add3A_1218 : f32 to vector<7x256x1792xf32>
    %add3A_1220 = arith.addf %sub3A_1217, %add3A_1219 : vector<7x256x1792xf32>
    %div3A_1221 = arith.divf %mul3A_1213, %add3A_1220 : vector<7x256x1792xf32>
    %gt3A_1222 = arith.constant 5.000000e-01 : f32
    %gt3A_1223 = vector.broadcast %gt3A_1222 : f32 to vector<7x256x1792xf32>
    %gt3A_1224 = arith.cmpf ogt, %div3A_1221, %gt3A_1223 : vector<7x256x1792xf32>
    %gt3A_1225 = arith.constant 5.000000e-01 : f32
    %gt3A_1226 = vector.broadcast %gt3A_1225 : f32 to vector<7x1x1792xf32>
    %gt3A_1227 = arith.cmpf ogt, %concatenate3A_1181, %gt3A_1226 : vector<7x1x1792xf32>
    %and3A_1228 = vector.broadcast %gt3A_1227 : vector<7x1x1792xi1> to vector<7x256x1792xi1>
    %and3A_1229 = arith.andi %gt3A_1224, %and3A_1228 : vector<7x256x1792xi1>
    %reduce_or3A_1230 = arith.constant 1.000000e+00 : f32
    %reduce_or3A_1231 = arith.constant 0.000000e+00 : f32
    %reduce_or3A_1232 = vector.broadcast %reduce_or3A_1230 : f32 to vector<7x256x1792xf32>
    %reduce_or3A_1233 = vector.broadcast %reduce_or3A_1231 : f32 to vector<7x256x1792xf32>
    %reduce_or3A_1234 = arith.select %and3A_1229, %reduce_or3A_1232, %reduce_or3A_1233 : vector<7x256x1792xi1>, vector<7x256x1792xf32>
    %reduce_or3A_1235 = arith.constant dense<0xFF800000> : vector<7x256xf32>
    %reduce_or3A_1236 = vector.multi_reduction <maximumf>, %reduce_or3A_1234, %reduce_or3A_1235 [2] : vector<7x256x1792xf32> to vector<7x256xf32>
    %reduce_or3A_1237 = arith.constant 0.000000e+00 : f32
    %reduce_or3A_1238 = vector.broadcast %reduce_or3A_1237 : f32 to vector<7x256xf32>
    %reduce_or3A_1239 = arith.cmpf ogt, %reduce_or3A_1236, %reduce_or3A_1238 : vector<7x256xf32>
    %broadcast_in_dim3A_1240 = vector.shape_cast %reduce_or3A_1239 : vector<7x256xi1> to vector<7x256x1xi1>
    %convert_element_type3A_1241 = arith.extui %broadcast_in_dim3A_1240 : vector<7x256x1xi1> to vector<7x256x1xi32>
    %convert_element_type3A_1242 = arith.sitofp %convert_element_type3A_1241 : vector<7x256x1xi32> to vector<7x256x1xf32>
    %dot_general3A_1243 = arith.constant dense<0.000000e+00> : vector<7x1x256xf32>
    %dot_general3A_1244 = tpu.matmul %convert_element_type3A_1242, %convert_element_type3A_139, %dot_general3A_1243 {dimension_numbers = #tpu.dot_dimension_numbers<[1], [1], [2], [2], [0, 0, 0, 2, 1, 2], [0], [0]>, transpose_lhs_hint = false} : vector<7x256x1xf32>, vector<7x256x256xf32>, vector<7x1x256xf32> -> vector<7x1x256xf32>
    %gt3A_1245 = arith.constant 5.000000e-01 : f32
    %gt3A_1246 = vector.broadcast %gt3A_1245 : f32 to vector<7x1x256xf32>
    %gt3A_1247 = arith.cmpf ogt, %dot_general3A_1244, %gt3A_1246 : vector<7x1x256xf32>
    %jit3A_1248 = arith.constant 0.000000e+00 : f32
    %broadcast_in_dim3A_1249 = vector.broadcast %jit3A_1248 : f32 to vector<7x1x256xf32>
    %select_n3A_1250 = arith.select %gt3A_1247, %broadcast_in_dim3A_1249, %convert_element_type3A_1173 : vector<7x1x256xi1>, vector<7x1x256xf32>
    %min3A_1251 = vector.broadcast %dot_general3A_1161 : vector<7x256x1xf32> to vector<7x256x256xf32>
    %min3A_1252 = vector.broadcast %slice3A_1150 : vector<7x1x256xf32> to vector<7x256x256xf32>
    %min3A_1253 = arith.minimumf %min3A_1251, %min3A_1252 : vector<7x256x256xf32>
    %max3A_1254 = vector.broadcast %dot_general3A_1155 : vector<7x256x1xf32> to vector<7x256x256xf32>
    %max3A_1255 = vector.broadcast %slice3A_1147 : vector<7x1x256xf32> to vector<7x256x256xf32>
    %max3A_1256 = arith.maximumf %max3A_1254, %max3A_1255 : vector<7x256x256xf32>
    %sub3A_1257 = arith.subf %min3A_1253, %max3A_1256 : vector<7x256x256xf32>
    %jit3A_1258 = arith.constant 0.000000e+00 : f32
    %max3A_1259 = vector.broadcast %jit3A_1258 : f32 to vector<7x256x256xf32>
    %max3A_1260 = arith.maximumf %max3A_1259, %sub3A_1257 : vector<7x256x256xf32>
    %min3A_1261 = vector.broadcast %dot_general3A_1163 : vector<7x256x1xf32> to vector<7x256x256xf32>
    %min3A_1262 = vector.broadcast %slice3A_1151 : vector<7x1x256xf32> to vector<7x256x256xf32>
    %min3A_1263 = arith.minimumf %min3A_1261, %min3A_1262 : vector<7x256x256xf32>
    %max3A_1264 = vector.broadcast %dot_general3A_1157 : vector<7x256x1xf32> to vector<7x256x256xf32>
    %max3A_1265 = vector.broadcast %slice3A_1148 : vector<7x1x256xf32> to vector<7x256x256xf32>
    %max3A_1266 = arith.maximumf %max3A_1264, %max3A_1265 : vector<7x256x256xf32>
    %sub3A_1267 = arith.subf %min3A_1263, %max3A_1266 : vector<7x256x256xf32>
    %jit3A_1268 = arith.constant 0.000000e+00 : f32
    %max3A_1269 = vector.broadcast %jit3A_1268 : f32 to vector<7x256x256xf32>
    %max3A_1270 = arith.maximumf %max3A_1269, %sub3A_1267 : vector<7x256x256xf32>
    %min3A_1271 = vector.broadcast %dot_general3A_1165 : vector<7x256x1xf32> to vector<7x256x256xf32>
    %min3A_1272 = vector.broadcast %slice3A_1152 : vector<7x1x256xf32> to vector<7x256x256xf32>
    %min3A_1273 = arith.minimumf %min3A_1271, %min3A_1272 : vector<7x256x256xf32>
    %max3A_1274 = vector.broadcast %dot_general3A_1159 : vector<7x256x1xf32> to vector<7x256x256xf32>
    %max3A_1275 = vector.broadcast %slice3A_1149 : vector<7x1x256xf32> to vector<7x256x256xf32>
    %max3A_1276 = arith.maximumf %max3A_1274, %max3A_1275 : vector<7x256x256xf32>
    %sub3A_1277 = arith.subf %min3A_1273, %max3A_1276 : vector<7x256x256xf32>
    %jit3A_1278 = arith.constant 0.000000e+00 : f32
    %max3A_1279 = vector.broadcast %jit3A_1278 : f32 to vector<7x256x256xf32>
    %max3A_1280 = arith.maximumf %max3A_1279, %sub3A_1277 : vector<7x256x256xf32>
    %mul3A_1281 = arith.mulf %max3A_1260, %max3A_1270 : vector<7x256x256xf32>
    %mul3A_1282 = arith.mulf %mul3A_1281, %max3A_1280 : vector<7x256x256xf32>
    %add3A_1283 = vector.broadcast %dot_general3A_1167 : vector<7x256x1xf32> to vector<7x256x256xf32>
    %add3A_1284 = vector.broadcast %slice3A_1153 : vector<7x1x256xf32> to vector<7x256x256xf32>
    %add3A_1285 = arith.addf %add3A_1283, %add3A_1284 : vector<7x256x256xf32>
    %sub3A_1286 = arith.subf %add3A_1285, %mul3A_1282 : vector<7x256x256xf32>
    %add3A_1287 = arith.constant 9.99999997E-7 : f32
    %add3A_1288 = vector.broadcast %add3A_1287 : f32 to vector<7x256x256xf32>
    %add3A_1289 = arith.addf %sub3A_1286, %add3A_1288 : vector<7x256x256xf32>
    %div3A_1290 = arith.divf %mul3A_1282, %add3A_1289 : vector<7x256x256xf32>
    %swap3A_1291 = arith.constant 0 : index
    %swap3A_1292 = arith.constant 0 : index
    %swap3A_1293 = arith.constant 0 : index
    %swap3A_1294 = vector.load %arg5[%swap3A_1291, %swap3A_1292, %swap3A_1293] : memref<7x256x256xf32, #tpu.memory_space<vmem>>, vector<7x256x256xf32>
    tpu.vector_store %arg5[%swap3A_1291, %swap3A_1292, %swap3A_1293], %div3A_1290 {strides = array<i32>} : memref<7x256x256xf32, #tpu.memory_space<vmem>>, vector<7x256x256xf32>,
    %broadcast_in_dim3A_1295 = arith.constant 0.000000e+00 : f32
    %broadcast_in_dim3A_1296 = vector.broadcast %broadcast_in_dim3A_1295 : f32 to vector<7x1x256xf32>
    %scan3A_1297 = arith.constant 0 : i32
    %scan3A_1298 = arith.constant 256 : i32
    %scan3A_1299 = arith.addi %scan3A_1297, %scan3A_1298 : i32
    %scan3A_1300 = arith.constant 1 : i32
    %scan3A_1301 = scf.for %scan3A_1314 = %scan3A_1297 to %scan3A_1299 step %scan3A_1300 iter_args(%scan3A_1315 = %broadcast_in_dim3A_1296) -> (vector<7x1x256xf32>)  : i32 {
      %get3A_1316 = arith.constant 0 : index
      %get3A_1317 = arith.index_cast %scan3A_1314 : i32 to index
      %get3A_1318 = arith.constant 0 : index
      %get3A_1319 = vector.load %arg5[%get3A_1316, %get3A_1317, %get3A_1318] : memref<7x256x256xf32, #tpu.memory_space<vmem>>, vector<7x1x256xf32>
      %mul3A_1320 = arith.mulf %get3A_1319, %scan3A_1315 : vector<7x1x256xf32>
      %reduce_max3A = arith.constant dense<0xFF800000> : vector<7x1xf32>
      %reduce_max3A_1321 = vector.multi_reduction <maximumf>, %mul3A_1320, %reduce_max3A [2] : vector<7x1x256xf32> to vector<7x1xf32>
      %broadcast_in_dim3A_1322 = vector.shape_cast %reduce_max3A_1321 : vector<7x1xf32> to vector<7x1x1xf32>
      %le3A = arith.constant 5.000000e-01 : f32
      %le3A_1323 = vector.broadcast %le3A : f32 to vector<7x1x1xf32>
      %le3A_1324 = arith.cmpf ole, %broadcast_in_dim3A_1322, %le3A_1323 : vector<7x1x1xf32>
      %convert_element_type3A_1325 = arith.extui %le3A_1324 : vector<7x1x1xi1> to vector<7x1x1xi32>
      %convert_element_type3A_1326 = arith.sitofp %convert_element_type3A_1325 : vector<7x1x1xi32> to vector<7x1x1xf32>
      %eq3A_1327 = vector.broadcast %scan3A_1314 : i32 to vector<7x1x256xi32>
      %eq3A_1328 = arith.cmpi eq, %iota3A_140, %eq3A_1327 : vector<7x1x256xi32>
      %convert_element_type3A_1329 = arith.extui %eq3A_1328 : vector<7x1x256xi1> to vector<7x1x256xi32>
      %convert_element_type3A_1330 = arith.sitofp %convert_element_type3A_1329 : vector<7x1x256xi32> to vector<7x1x256xf32>
      %mul3A_1331 = arith.mulf %convert_element_type3A_1330, %select_n3A_1250 : vector<7x1x256xf32>
      %mul3A_1332 = vector.broadcast %convert_element_type3A_1326 : vector<7x1x1xf32> to vector<7x1x256xf32>
      %mul3A_1333 = arith.mulf %mul3A_1331, %mul3A_1332 : vector<7x1x256xf32>
      %add3A_1334 = arith.addf %scan3A_1315, %mul3A_1333 : vector<7x1x256xf32>
      scf.yield %add3A_1334 : vector<7x1x256xf32>
    }
    %scan3A_1302 = arith.constant 256 : i32
    %concatenate3A_1303 = tpu.concatenate %scan3A_213, %scan3A_365, %scan3A_521, %scan3A_677, %scan3A_833, %scan3A_989, %scan3A_1145, %scan3A_1301 in 2 : vector<7x1x256xf32>, vector<7x1x256xf32>, vector<7x1x256xf32>, vector<7x1x256xf32>, vector<7x1x256xf32>, vector<7x1x256xf32>, vector<7x1x256xf32>, vector<7x1x256xf32> -> vector<7x1x2048xf32>
    %gt3A_1304 = arith.constant 5.000000e-01 : f32
    %gt3A_1305 = vector.broadcast %gt3A_1304 : f32 to vector<7x1x2048xf32>
    %gt3A_1306 = arith.cmpf ogt, %concatenate3A_1303, %gt3A_1305 : vector<7x1x2048xf32>
    %jit3A_1307 = arith.constant -1.000000e+00 : f32
    %broadcast_in_dim3A_1308 = vector.broadcast %jit3A_1307 : f32 to vector<7x1x2048xf32>
    %select_n3A_1309 = arith.select %gt3A_1306, %get3A_2, %broadcast_in_dim3A_1308 : vector<7x1x2048xi1>, vector<7x1x2048xf32>
    %swap3A_1310 = arith.constant 0 : index
    %swap3A_1311 = arith.constant 0 : index
    %swap3A_1312 = arith.constant 0 : index
    %swap3A_1313 = vector.load %arg3[%swap3A_1310, %swap3A_1311, %swap3A_1312] : memref<7x1x2048xf32, #tpu.memory_space<vmem>>, vector<7x1x2048xf32>
    tpu.vector_store %arg3[%swap3A_1310, %swap3A_1311, %swap3A_1312], %select_n3A_1309 {strides = array<i32>} : memref<7x1x2048xf32, #tpu.memory_space<vmem>>, vector<7x1x2048xf32>,
    return
  }
}

</mosaic_0001>

<sc_bundles>
// kernel: gather_offload_async_start.1
scs
__scs_entry_jumppad:
0x0: {  	(pc) =	sbr.rel $0x88, $3  }
0x1: {  	(tag) =	ssettag $0x0;
	lr =	simm.s32 $0x1  }
0x2: {  	[smem:$0x3F9E] =	sst lr;
	_ =	strace $0xD0000000  }
0x3: {  	_ = 	snop  }
0x4: {  	_ = 	snop  }
0x5: {  	_ = 	snop  }
0x6: {  	_ = 	snop  }
0x7: {  	_ = 	snop  }
__scs_overlays_trampoline_lowered:
0x8: {  	[smem:$0x3FAD] =	sst s0  }
0x9: {  	[smem:$0x3FAE] =	sst s1  }
0xa: {  	[smem:$0x3FAF] =	sst s2  }
0xb: {  	[smem:$0x3FB0] =	sst s3  }
0xc: {  	[smem:$0x3FB1] =	sst s4  }
0xd: {  	[smem:$0x3FB2] =	sst s5  }
0xe: {  	[smem:$0x3FB3] =	sst s6  }
0xf: {  	[smem:$0x3FB4] =	sst s7  }
0x10: {  	[smem:$0x3FB5] =	sst s8  }
0x11: {  	[smem:$0x3FB6] =	sst s9;
	s0 =	simm.s32 @!p0 $0x0  }
0x12: {  	s1 =	sld [smem:$0x3F9C];
	s0 =	simm.s32 @p0 $0x1  }
0x13: {  	[smem:$0x3FB7] =	sst s0;
	s0 =	simm.s32 @!p1 $0x0  }
0x14: {  	s2 =	sld [smem:$0x3F9B];
	s0 =	simm.s32 @p1 $0x1  }
0x15: {  	[smem:$0x3FB8] =	sst s0;
	s0 =	simm.s32 @!p2 $0x0  }
0x16: {  	s3 =	sld [smem:$0x3FDB];
	s0 =	simm.s32 @p2 $0x1  }
0x17: {  	s4 =	simm.s32 $0x1BF5;
	[smem:$0x3FBA] =	sst s0  }
0x18: {  	s0 =	sld [smem:$0x3F9D];
	_ =	swait.ge [sflag:s4], $0x0  }
0x19: {  	s7 =	sld [smem:$0x3F9E]  }
0x1a: {  	s8 =	sadd.s32 $0xFFFFE003, lr  }
0x1b: {  	s9 =	sadd.s32 $0xFFFFFEF7, lr;
	s5 =	simm.s32 $0xFFFFFFFF;
	p2 =	slt.u32 s8, $0xFFFFF086  }
0x1c: {  	p1 =	slt.u32 s9, $0xF7A;
	s5 =	simm.s32 @!p2 $0x0  }
0x1d: {  	s5 =	simm.s32 @p1 $0x1;
	p0 =	seq.s32 s7, s2  }
0x1e: {  	s7 =	smul.u32 @!p0 $0xF7A, s2;
	p2 =	seq.s32 @!p0 s5, $0x0  }
0x1f: {  	s9 =	smul.u32 $0xF7A, s1;
	s8 =	simm.s32 @!p0 $0x1BF5;
	p2 =	por !p2, p0  }
0x20: {  	[sflag:s8] =	ssyncset.s32 @!p0 $0xFFFFF086;
	s6 =	sadd.s32 @!p0 s3, s7;
	s7 =	simm.s32 @!p0 $0x108  }
0x21: {  	s3 =	sadd.s32 s3, s9;
	s6 =	sadd.s32 @!p0 $0x88, s6;
	s7 =	simm.s32 @p2 $0x1082  }
0x22: {  	[simem:s7], [sflag:s8] =	dma.local @!p0 [hbm:s6], $0xF7A  }
0x23: {  	s9 =	sor.u32 $0xD0000000, s2;
	s6 =	simm.s32 $0x108;
	_ =	swait.ge @!p0 [sflag:s8], $0x0  }
0x24: {  	s3 =	sadd.s32 $0x88, s3;
	s6 =	simm.s32 @!p1 $0x1082;
	[sflag:s4] =	ssyncset.s32 $0xFFFFF086  }
0x25: {  	[simem:s6], [sflag:s4] =	dma.local [hbm:s3], $0xF7A  }
0x26: {  	[smem:$0x3F9E] =	sst s1;
	(tag) =	ssettag s2;
	_ =	strace s9  }
0x27: {  	s1 =	sld [smem:$0x3FAE]  }
0x28: {  	s2 =	sld [smem:$0x3FAF]  }
0x29: {  	s4 =	sld [smem:$0x3FB1]  }
0x2a: {  	p0 =	seq.s32 s5, $0x0;
	s5 =	sld [smem:$0x3FB2]  }
0x2b: {  	s6 =	sld [smem:$0x3FB3]  }
0x2c: {  	s7 =	sld [smem:$0x3FB4]  }
0x2d: {  	s3 =	simm.s32 $0x108;
	s8 =	sld [smem:$0x3FB5]  }
0x2e: {  	s3 =	simm.s32 @!p0 $0x1082;
	s9 =	sld [smem:$0x3FB6]  }
0x2f: {  	lr =	sadd.s32 s0, s3;
	s0 =	sld [smem:$0x3FAD]  }
0x30: {  	s3 =	sld [smem:$0x3FB0]  }
0x31: {  	[smem:$0x3FB9] =	sst s10  }
0x32: {  	s10 =	sld [smem:$0x3FB7];
	_ =	sdelay $0x3  }
0x33: {  	p0 =	seq.s32 s10, $0x1;
	s10 =	sld [smem:$0x3FB9];
	_ =	sdelay $0x3  }
0x34: {  	[smem:$0x3FB9] =	sst s10  }
0x35: {  	s10 =	sld [smem:$0x3FB8];
	_ =	sdelay $0x3  }
0x36: {  	p1 =	seq.s32 s10, $0x1;
	s10 =	sld [smem:$0x3FB9];
	_ =	sdelay $0x3  }
0x37: {  	[smem:$0x3FB9] =	sst s10  }
0x38: {  	s10 =	sld [smem:$0x3FBA]  }
0x39: {  	_ = 	snop;
	(pc) =	sbr.ind lr, $3  }
0x3a: {  	_ = 	snop  }
0x3b: {  	_ = 	snop  }
0x3c: {  	p2 =	seq.s32 s10, $0x1;
	s10 =	sld [smem:$0x3FB9]  }
0x3d: {  	_ =	shalt  }
0x3e: {  	_ =	shalt  }
0x3f: {  	_ =	shalt  }
0x40: {  	_ =	shalt  }
0x41: {  	_ =	shalt  }
0x42: {  	_ =	shalt  }
0x43: {  	_ =	shalt  }
0x44: {  	_ =	shalt  }
0x45: {  	_ =	shalt  }
0x46: {  	_ =	shalt  }
0x47: {  	_ =	shalt  }
0x48: {  	_ =	shalt  }
0x49: {  	_ =	shalt  }
0x4a: {  	_ =	shalt  }
0x4b: {  	_ =	shalt  }
0x4c: {  	_ =	shalt  }
0x4d: {  	_ =	shalt  }
0x4e: {  	_ =	shalt  }
0x4f: {  	_ =	shalt  }
0x50: {  	_ =	shalt  }
0x51: {  	_ =	shalt  }
0x52: {  	_ =	shalt  }
0x53: {  	_ =	shalt  }
0x54: {  	_ =	shalt  }
0x55: {  	_ =	shalt  }
0x56: {  	_ =	shalt  }
0x57: {  	_ =	shalt  }
0x58: {  	_ =	shalt  }
0x59: {  	_ =	shalt  }
0x5a: {  	_ =	shalt  }
0x5b: {  	_ =	shalt  }
0x5c: {  	_ =	shalt  }
0x5d: {  	_ =	shalt  }
0x5e: {  	_ =	shalt  }
0x5f: {  	_ =	shalt  }
0x60: {  	_ =	shalt  }
0x61: {  	_ =	shalt  }
0x62: {  	_ =	shalt  }
0x63: {  	_ =	shalt  }
0x64: {  	_ =	shalt  }
0x65: {  	_ =	shalt  }
0x66: {  	_ =	shalt  }
0x67: {  	_ =	shalt  }
0x68: {  	_ =	shalt  }
0x69: {  	_ =	shalt  }
0x6a: {  	_ =	shalt  }
0x6b: {  	_ =	shalt  }
0x6c: {  	_ =	shalt  }
0x6d: {  	_ =	shalt  }
0x6e: {  	_ =	shalt  }
0x6f: {  	_ =	shalt  }
0x70: {  	_ =	shalt  }
0x71: {  	_ =	shalt  }
0x72: {  	_ =	shalt  }
0x73: {  	_ =	shalt  }
0x74: {  	_ =	shalt  }
0x75: {  	_ =	shalt  }
0x76: {  	_ =	shalt  }
0x77: {  	_ =	shalt  }
0x78: {  	_ =	shalt  }
0x79: {  	_ =	shalt  }
0x7a: {  	_ =	shalt  }
0x7b: {  	_ =	shalt  }
0x7c: {  	_ =	shalt  }
0x7d: {  	_ =	shalt  }
0x7e: {  	_ =	shalt  }
0x7f: {  	_ =	shalt  }
0x80: {  	_ =	shalt  }
0x81: {  	_ =	shalt  }
0x82: {  	_ =	shalt  }
0x83: {  	_ =	shalt  }
0x84: {  	_ =	shalt  }
0x85: {  	_ =	shalt  }
0x86: {  	_ =	shalt  }
0x87: {  	_ =	shalt  }
.Lfunc_end0:
.L_simem_size_0:
called_computation.1_lowered:
.L_overlay_start_0:
0x88: {  	s0 =	sld [smem:$0x3FD9]  }
0x89: {  	s1 =	sld [smem:$0x3FFE];
	_ =	sdelay $0x3  }
0x8a: {  	s0 =	sadd.s32 s1, s0  }
0x8b: {  	[smem:$0x3FC5] =	sst s0  }
0x8c: {  	_ = 	snop  }
0x8d: {  	(tm) =	ssettm $0x1  }
0x8e: {  	s15 =	sld [smem:$0x3FFB];
	_ =	sdelay $0x3  }
0x8f: {  	_ =	strace s15  }
0x90: {  	s0 =	sld [smem:$0x3FFC];
	_ =	sdelay $0x3  }
0x91: {  	_ =	strace s0  }
0x92: {  	s0 =	sld [smem:$0x3FFD];
	_ =	sdelay $0x3  }
0x93: {  	_ =	strace s0  }
0x94: {  	_ =	strace $0x8FFFFFFF  }
0x95: {  	s16 =	sld [smem:$0x3FDB];
	_ =	sdelay $0x1  }
0x96: {  	s17 =	simm.s32 $_scs_section_size  }
0x97: {  	s2 =	simm.s32 $_size__tile_overlayer_lowered;
	s3 =	simm.s32 $_tile_overlayer_lowered  }
0x98: {  	s20 =	simm.s32 $0x1BFF;
	s19 =	sshll.u32 s3, $0x1;
	s0 =	sadd.s32 s17, s16  }
0x99: {  	s4 =	simm.s32 $0x0;
	s18 =	sshll.u32 s2, $0x1;
	s2 =	sadd.s32 s19, s0  }
0x9a: {  	[timem:s4], [sflag:s20] =	dma.local [hbm:s2], s18  }
0x9b: {  	_ =	swait.ge [sflag:s20], s18  }
0x9c: {  	s1 =	ssub.s32 $0x0, s18;
	[sflag:s20] =	ssyncset.done $0x0  }
0x9d: {  	[sflag:s20] =	ssyncadd.s32 s1;
	_ =	sdelay $0x1  }
0x9e: {  	s21 =	simm.s32 $0x1B8B  }
0x9f: {  	_ =	swait.ge [sflag:s21], $0x1  }
0xa0: {  	[sflag:s21] =	ssyncset.done $0x0  }
0xa1: {  	s23 =	simm.s32 $0x1B8E;
	s22 =	sld [smem:$0x3FFE];
	[sflag:s21] =	ssyncadd.s32 $0xFFFFFFFF  }
0xa2: {  	s24 =	simm.s32 $execute0_lowered;
	[smem:$0x3FD2] =	sst s23  }
0xa3: {  	s2 =	sshll.u32 s24, $0x1;
	_ =	strace $0x80000046;
	[dreg:$0x1] =	wrdreg $0xFFFFFFFF  }
0xa4: {  	s25 =	simm.s32 $_size_execute0_lowered;
	s0 =	sadd.s32 s0, s2;
	[dreg:$0x0] =	wrdreg $0x0  }
0xa5: {  	s2 =	sshll.u32 s25, $0x1;
	[dreg:$0x2] =	wrdreg s0  }
0xa6: {  	[dreg:$0x3] =	wrdreg s2  }
0xa7: {  	[dreg:$0x4] =	wrdreg $0xC0  }
0xa8: {  	_ =	task [dreg:s4], $0x5FFFF  }
0xa9: {  	[dreg:$0x1] =	wrdreg $0xFFFFFFFF  }
0xaa: {  	[dreg:$0x0] =	wrdreg $0x60  }
0xab: {  	[dreg:$0x2] =	wrdreg s22  }
0xac: {  	[dreg:$0x3] =	wrdreg $0xA  }
0xad: {  	_ =	task.clear_ibuf [dreg:s4], $0x4FFFF;
	_ =	strace $0x90000046  }
0xae: {  	s26 =	simm.s32 $0xA;
	_ =	strace $0x80000048  }
0xaf: {  	_ =	swait.ge [sflag:s26], $0x1  }
0xb0: {  	[sflag:s26] =	ssyncadd.s32 $0xFFFFFFFF  }
0xb1: {  	_ =	strace $0x90000048  }
0xb2: {  	_ =	sfence  }
0xb3: {  	s28 =	sld [smem:$0x0];
	_ =	sdelay $0x1  }
0xb4: {  	s29 =	srdreg.scid  }
0xb5: {  	s30 =	sshll.u32 s29, $0xD;
	s31 =	sshrl.u32 s29, $0x2  }
0xb6: {  	s1 =	sand.u32 $0x1, s29;
	s2 =	sand.u32 $0x4000, s30;
	s0 =	sadd.s32 s31, s28  }
0xb7: {  	s1 =	sor.u32 s2, s1;
	s0 =	sshll.u32 s0, $0x11  }
0xb8: {  	s0 =	sor.u32 s0, s1  }
0xb9: {  	s0 =	sadd.s32 $0x8F2B, s0  }
0xba: {  	[sflag:s0] =	ssyncadd.remote.s32 $0x1  }
0xbb: {  	_ =	sfence.sel $0xFFFF  }
0xbc: {  	[dreg:$0x0] =	wrdreg $0xFFFFFFFF;
	(pc) =	sbr.abs _section_cstart, $3  }
0xbd: {  	[dreg:$0x1] =	wrdreg $0xFFFFFFFF  }
0xbe: {  	_ =	task.clear_ibuf [dreg:s4], $0x2FFFF;
	_ =	strace $0x9FFFFFFF  }
0xbf: {  	(tm) =	ssettm $0x7FFFFFFF  }
tec
execute0_lowered:
.L_overlay_start_1:
0x0: {  	(tag) =	ssettag $0x1  }
0x1: {  	s0 =	stileid.u32  }
0x2: {  	s1 =	smin.u32 s0, $0x3;
	s2 =	sshll.u32 s0, $0x1  }
0x3: {  	s1 =	sadd.s32 s1, s2  }
0x4: {  	p0 =	slt.u32 s0, $0x3;
	s2 =	simm.s32 $0x4B0;
	s1 =	smul.u32 $0x190, s1  }
0x5: {  	s2 =	simm.s32 @!p0 $0x320  }
0x6: {  	s2 =	sadd.s32 s2, s1  }
0x7: {  	s3 =	smin.u32 s2, $0x36B0  }
0x8: {  	s7 =	ssub.s32 s3, s1  }
0x9: {  	p0 =	sgt.s32 s7, $0x0  }
0xa: {  	s7 =	simm.s32 @!p0 $0x0  }
0xb: {  	s31 =	sand.u32 $0xFFF0, s7  }
0xc: {  	s2 =	sshrl.u32 s31, $0x4  }
0xd: {  	s2 =	smul.u32 $0xA3E, s2  }
0xe: {  	s4 =	rddreg [dreg:$0x0];
	s6 =	simm.s32 $0x1  }
0xf: {  	s10 =	simm.s32 $0x3;
	s13 =	simm.s32 $0x0;
	s8 =	sshrl.u32 s2, $0x10  }
0x10: {  	s12 =	simm.s32 $0x0;
	s5 =	sadd.s32 $0x800, s4;
	s9 =	smul.u32 $0x190, s8  }
.Ltmp0:
0x11: {  	s11 =	smov.u32 s1;
	s2 =	rddreg [dreg:$0x1];
	(pc) =	sbr.rel .LBB2_1-.Ltmp0, $4  }
0x12: {  	_ =	strace $0x80000047;
	p0 =	sne.s32 s7, s9;
	s9 =	simm.s32 $0x1  }
0x13: {  	[sflag:s6] =	ssyncpa.u1 $0x0;
	s7 =	simm.s32 $0x2;
	s9 =	simm.s32 @!p0 $0x0  }
0x14: {  	[sflag:s7] =	ssyncpa.u1 $0x0;
	p0 =	por $0x0, $0x0;
	s8 =	sadd.s32 s8, s9  }
0x15: {  	vm0 =	vmmov $0xff;
	vm1 =	vcmask $0x3F20;
	s9 =	sadd.s32 $0x4EA00, s4;
	[sflag:s10] =	ssyncpa.u1 $0x0;
	s10 =	sadd.s32 $0x1, s8  }
.LBB2_6:
0x16: {  	[hbm:s17] =	stream.linear.scatter [tilespmem:s14], [sflag:$0x3], $0x400, $0x38;
	[tilespmem:$0x19320] =	vst v63  }
.LBB2_7:
0x17: {  	s13 =	sadd.s32 $0x190, s11  }
0x18: {  	s15 =	smov.u32 s1;
	p2 =	slt.s32 s13, s3  }
0x19: {  	s15 =	smov.u32 @p2 s13;
	p2 =	sne.s32 s12, s10  }
.Ltmp1:
0x1a: {  	p1 =	slt.u32 s12, $0x2;
	(pc) =	sbr.rel @!p2 .LBB2_8-.Ltmp1, $4  }
0x1b: {  	s14 =	simm.s32 @!p1 $0x3  }
0x1c: {  	s16 =	sadd.s32 $0x1, s12;
	_ =	swait.ge @!p1 [sflag:s14], $0xC800  }
0x1d: {  	p0 =	por !p0, !p0;
	s13 =	smov.u32 s11;
	[sflag:s14] =	ssyncset.done @!p1 $0x0  }
0x1e: {  	s12 =	smov.u32 s16;
	s11 =	smov.u32 s15;
	[sflag:s14] =	ssyncadd.s32 @!p1 $0xFFFF3800  }
.LBB2_1:
0x1f: {  	p1 =	sge.u32 s12, s8  }
0x20: {  	s14 =	sxor.u32 @!p1 $0xFFFFFFFF, s12  }
0x21: {  	s14 =	sand.u32 @!p1 $0x1, s14  }
0x22: {  	s14 =	smul.u32 @!p1 $0x640, s14  }
0x23: {  	s31 =	sadd.s32 $0xFFFFFFFF, s12;
	s15 =	sshrl.u32 @!p1 s11, $0x3  }
0x24: {  	s16 =	sand.u32 @!p1 $0x7, s11;
	s15 =	sadd.s32 @!p1 s4, s15;
	s14 =	sshrl.u32 @!p1 s14, $0x2  }
0x25: {  	[tilespmem:s14], [sflag:$0x2] =	stream.linear.gather @!p1 [hbm4b:s15+s16], $0x190, $0x38;
	[tilespmem:$0x19320] =	vst v63  }
0x26: {  	p1 =	sge.u32 s31, s8  }
.Ltmp2:
0x27: {  	_ = 	snop;
	(pc) =	sbr.rel @p1 .LBB2_7-.Ltmp2, $1  }
0x28: {  	_ =	sdelay $0x3  }
0x29: {  	s14 =	simm.s32 $0x1  }
0x2a: {  	s14 =	simm.s32 @!p0 $0x0  }
0x2b: {  	s15 =	smul.u32 $0x640, s14  }
0x2c: {  	_ =	swait.ge [sflag:s7], $0x190  }
0x2d: {  	[sflag:s7] =	ssyncset.done $0x0;
	s16 =	sshrl.u32 s15, $0x2  }
0x2e: {  	[sflag:s7] =	ssyncadd.s32 $0xFFFFFE70;
	s15 =	sadd.s32 $0x0, s16  }
0x2f: {  	v0 =	vld.msk [tilespmem:s15+$0x0 ss:$0x1], $0xffff;
	_ =	sdelay $0x4  }
0x30: {  	vm2 =	vgt.s32 v0, $0x0  }
0x31: {  	v0 =	vnsel vm2, $0x0, v0  }
0x32: {  	v0 =	vmin.u32 v0, $0x4E1F  }
0x33: {  	v0 =	vshll.u32 v0, $0x4  }
0x34: {  	s14 =	smul.u32 $0x32000, s14;
	_ =	sdelay $0x1  }
0x35: {  	s14 =	sshrl.u32 s14, $0x2  }
0x36: {  	s14 =	sor.u32 $0x320, s14  }
0x37: {  	[tilespmem:s14], [sflag:$0x1] =	stream.indirect_vreg.gather [hbm:s5], $0x80, v0, vm0, $0x38;
	[tilespmem:$0x19320] =	vst v63  }
0x38: {  	s17 =	sadd.s32 $0x10, s16;
	s15 =	sadd.s32 $0x400, s14  }
0x39: {  	[tilespmem:s15], [sflag:$0x1] =	stream.indirect_vreg.gather [hbm:s5], $0x80, v0, vm1, $0x38;
	[tilespmem:$0x19320] =	vst v63  }
0x3a: {  	s18 =	simm.s32 $0x80;
	v0 =	vld.msk [tilespmem:s17+$0x0 ss:$0x1], $0xffff;
	s17 =	smov.u32 s14  }
.LBB2_3:
0x3b: {  	p1 =	sne.s32 s18, $0x600;
	_ =	sdelay $0x4  }
0x3c: {  	vm2 =	vgt.s32 v0, $0x0  }
0x3d: {  	v0 =	vnsel vm2, $0x0, v0  }
0x3e: {  	v0 =	vmin.u32 v0, $0x4E1F  }
0x3f: {  	v0 =	vshll.u32 v0, $0x4;
	_ =	sdelay $0x3  }
.Ltmp3:
0x40: {  	s19 =	sshra.s32 s18, $0x2;
	s17 =	sadd.s32 $0x800, s17;
	(pc) =	sbr.rel @p1 .LBB2_3-.Ltmp3, $4  }
0x41: {  	[tilespmem:s17], [sflag:$0x1] =	stream.indirect_vreg.gather [hbm:s5], $0x80, v0, vm0, $0x38;
	[tilespmem:$0x19320] =	vst v63  }
0x42: {  	s19 =	sadd.s32 s19, s16;
	s20 =	sadd.s32 $0x400, s17  }
0x43: {  	[tilespmem:s20], [sflag:$0x1] =	stream.indirect_vreg.gather [hbm:s5], $0x80, v0, vm1, $0x38;
	[tilespmem:$0x19320] =	vst v63  }
0x44: {  	s18 =	sadd.s32 $0x40, s18;
	v0 =	vld.msk [tilespmem:s19+$0x0 ss:$0x1], $0xffff  }
0x45: {  	_ =	sdelay $0x3  }
0x46: {  	vm2 =	vgt.s32 v0, $0x0  }
0x47: {  	v0 =	vnsel vm2, $0x0, v0  }
0x48: {  	v0 =	vmin.u32 v0, $0x4E1F  }
0x49: {  	v0 =	vshll.u32 v0, $0x4;
	_ =	sdelay $0x3  }
0x4a: {  	s16 =	sadd.s32 $0x800, s17  }
0x4b: {  	[tilespmem:s16], [sflag:$0x1] =	stream.indirect_vreg.gather [hbm:s5], $0x80, v0, vm0, $0x38;
	[tilespmem:$0x19320] =	vst v63  }
0x4c: {  	s16 =	sadd.s32 $0x400, s16  }
0x4d: {  	[tilespmem:s16], [sflag:$0x1] =	stream.indirect_vreg.gather [hbm:s5], $0x80, v0, vm1, $0x38;
	[tilespmem:$0x19320] =	vst v63  }
0x4e: {  	s13 =	sshll.u32 s13, $0x4;
	_ =	swait.ge [sflag:s6], $0xC800  }
0x4f: {  	s13 =	sadd.s32 s13, s9;
	[sflag:s6] =	ssyncset.done $0x0  }
0x50: {  	s17 =	sadd.s32 $0x0, s13;
	s16 =	simm.s32 $0x80;
	[sflag:s6] =	ssyncadd.s32 $0xFFFF3800  }
.LBB2_5:
0x51: {  	[hbm:s17] =	stream.linear.scatter [tilespmem:s14], [sflag:$0x3], $0x400, $0x38;
	[tilespmem:$0x19320] =	vst v63  }
0x52: {  	s17 =	smov.u32 s16;
	s14 =	smov.u32 s15;
	p1 =	sne.s32 s16, $0x1880  }
.Ltmp4:
0x53: {  	s16 =	sadd.s32 $0x80, s16;
	(pc) =	sbr.rel @p1 .LBB2_5-.Ltmp4, $2  }
0x54: {  	_ =	sdelay $0x2  }
0x55: {  	s15 =	sadd.s32 $0x400, s15;
	s17 =	sadd.s32 s17, s13  }
.Ltmp5:
0x56: {  	_ = 	snop;
	(pc) =	sbr.rel .LBB2_6-.Ltmp5, $1  }
0x57: {  	_ =	sdelay $0x3  }
.LBB2_8:
0x58: {  	_ =	sfence.sel $0x180000  }
0x59: {  	s1 =	simm.s32 $0x2;
	[bflag:$0x0] =	sbarrier.arrive $0xFFFF  }
0x5a: {  	s30 =	simm.s32 $0x3;
	[sflag:s1] =	ssyncpa.u1 $0x1  }
0x5b: {  	s31 =	simm.s32 $0x1;
	[sflag:s30] =	ssyncpa.u1 $0x1  }
0x5c: {  	[sflag:s31] =	ssyncpa.u1 $0x1  }
0x5d: {  	p0 =	sne.s32 s0, $0x0;
	_ =	strace $0x90000047  }
0x5e: {  	s0 =	sadd.s32 @!p0 $0x100000, s2;
	[bflag:$0x2] =	sbarrier.arrive $0xFFFF  }
0x5f: {  	[sflag:s0] =	ssyncadd.tile.s32 @!p0 $0x1;
	_ =	shalt  }
.Lfunc_end2:
_tile_overlayer_lowered:
.L_overlay_start_2:
0x60: {  	(tag) =	ssettag $0x2  }
0x61: {  	s0 =	rddreg [dreg:$0x0];
	s2 =	stileid.u32  }
0x62: {  	s1 =	rddreg [dreg:$0x1];
	p0 =	sne.s32 s2, $0x0  }
0x63: {  	s3 =	rddreg [dreg:$0x2];
	[bflag:$0x3] =	sbarrier.arrive $0xFFFF;
	s2 =	simm.s32 @!p0 $0x1C01  }
0x64: {  	[timem:s3], [sflag:s2] =	dma.local @!p0 [hbm:s0], s1  }
0x65: {  	s0 =	simm.s32 @!p0 $0x1  }
0x66: {  	_ =	swait.ge @!p0 [sflag:s0], s1  }
0x67: {  	s1 =	ssub.s32 @!p0 $0x0, s1;
	[sflag:s0] =	ssyncset.done @!p0 $0x0  }
0x68: {  	[sflag:s0] =	ssyncadd.s32 @!p0 s1  }
0x69: {  	[bflag:$0x3] =	sbarrier.arrive $0xFFFF  }
0x6a: {  	_ =	shalt  }

// kernel: gather_offload_async_start
scs
__scs_entry_jumppad:
0x0: {  	(pc) =	sbr.rel $0x88, $3  }
0x1: {  	(tag) =	ssettag $0x0;
	lr =	simm.s32 $0x1  }
0x2: {  	[smem:$0x3F9E] =	sst lr;
	_ =	strace $0xD0000000  }
0x3: {  	_ = 	snop  }
0x4: {  	_ = 	snop  }
0x5: {  	_ = 	snop  }
0x6: {  	_ = 	snop  }
0x7: {  	_ = 	snop  }
__scs_overlays_trampoline_lowered:
0x8: {  	[smem:$0x3FAD] =	sst s0  }
0x9: {  	[smem:$0x3FAE] =	sst s1  }
0xa: {  	[smem:$0x3FAF] =	sst s2  }
0xb: {  	[smem:$0x3FB0] =	sst s3  }
0xc: {  	[smem:$0x3FB1] =	sst s4  }
0xd: {  	[smem:$0x3FB2] =	sst s5  }
0xe: {  	[smem:$0x3FB3] =	sst s6  }
0xf: {  	[smem:$0x3FB4] =	sst s7  }
0x10: {  	[smem:$0x3FB5] =	sst s8  }
0x11: {  	[smem:$0x3FB6] =	sst s9;
	s0 =	simm.s32 @!p0 $0x0  }
0x12: {  	s1 =	sld [smem:$0x3F9C];
	s0 =	simm.s32 @p0 $0x1  }
0x13: {  	[smem:$0x3FB7] =	sst s0;
	s0 =	simm.s32 @!p1 $0x0  }
0x14: {  	s2 =	sld [smem:$0x3F9B];
	s0 =	simm.s32 @p1 $0x1  }
0x15: {  	[smem:$0x3FB8] =	sst s0;
	s0 =	simm.s32 @!p2 $0x0  }
0x16: {  	s3 =	sld [smem:$0x3FDB];
	s0 =	simm.s32 @p2 $0x1  }
0x17: {  	s4 =	simm.s32 $0x1BF5;
	[smem:$0x3FBA] =	sst s0  }
0x18: {  	s0 =	sld [smem:$0x3F9D];
	_ =	swait.ge [sflag:s4], $0x0  }
0x19: {  	s7 =	sld [smem:$0x3F9E]  }
0x1a: {  	s8 =	sadd.s32 $0xFFFFE003, lr  }
0x1b: {  	s9 =	sadd.s32 $0xFFFFFEF7, lr;
	s5 =	simm.s32 $0xFFFFFFFF;
	p2 =	slt.u32 s8, $0xFFFFF086  }
0x1c: {  	p1 =	slt.u32 s9, $0xF7A;
	s5 =	simm.s32 @!p2 $0x0  }
0x1d: {  	s5 =	simm.s32 @p1 $0x1;
	p0 =	seq.s32 s7, s2  }
0x1e: {  	s7 =	smul.u32 @!p0 $0xF7A, s2;
	p2 =	seq.s32 @!p0 s5, $0x0  }
0x1f: {  	s9 =	smul.u32 $0xF7A, s1;
	s8 =	simm.s32 @!p0 $0x1BF5;
	p2 =	por !p2, p0  }
0x20: {  	[sflag:s8] =	ssyncset.s32 @!p0 $0xFFFFF086;
	s6 =	sadd.s32 @!p0 s3, s7;
	s7 =	simm.s32 @!p0 $0x108  }
0x21: {  	s3 =	sadd.s32 s3, s9;
	s6 =	sadd.s32 @!p0 $0x88, s6;
	s7 =	simm.s32 @p2 $0x1082  }
0x22: {  	[simem:s7], [sflag:s8] =	dma.local @!p0 [hbm:s6], $0xF7A  }
0x23: {  	s9 =	sor.u32 $0xD0000000, s2;
	s6 =	simm.s32 $0x108;
	_ =	swait.ge @!p0 [sflag:s8], $0x0  }
0x24: {  	s3 =	sadd.s32 $0x88, s3;
	s6 =	simm.s32 @!p1 $0x1082;
	[sflag:s4] =	ssyncset.s32 $0xFFFFF086  }
0x25: {  	[simem:s6], [sflag:s4] =	dma.local [hbm:s3], $0xF7A  }
0x26: {  	[smem:$0x3F9E] =	sst s1;
	(tag) =	ssettag s2;
	_ =	strace s9  }
0x27: {  	s1 =	sld [smem:$0x3FAE]  }
0x28: {  	s2 =	sld [smem:$0x3FAF]  }
0x29: {  	s4 =	sld [smem:$0x3FB1]  }
0x2a: {  	p0 =	seq.s32 s5, $0x0;
	s5 =	sld [smem:$0x3FB2]  }
0x2b: {  	s6 =	sld [smem:$0x3FB3]  }
0x2c: {  	s7 =	sld [smem:$0x3FB4]  }
0x2d: {  	s3 =	simm.s32 $0x108;
	s8 =	sld [smem:$0x3FB5]  }
0x2e: {  	s3 =	simm.s32 @!p0 $0x1082;
	s9 =	sld [smem:$0x3FB6]  }
0x2f: {  	lr =	sadd.s32 s0, s3;
	s0 =	sld [smem:$0x3FAD]  }
0x30: {  	s3 =	sld [smem:$0x3FB0]  }
0x31: {  	[smem:$0x3FB9] =	sst s10  }
0x32: {  	s10 =	sld [smem:$0x3FB7];
	_ =	sdelay $0x3  }
0x33: {  	p0 =	seq.s32 s10, $0x1;
	s10 =	sld [smem:$0x3FB9];
	_ =	sdelay $0x3  }
0x34: {  	[smem:$0x3FB9] =	sst s10  }
0x35: {  	s10 =	sld [smem:$0x3FB8];
	_ =	sdelay $0x3  }
0x36: {  	p1 =	seq.s32 s10, $0x1;
	s10 =	sld [smem:$0x3FB9];
	_ =	sdelay $0x3  }
0x37: {  	[smem:$0x3FB9] =	sst s10  }
0x38: {  	s10 =	sld [smem:$0x3FBA]  }
0x39: {  	_ = 	snop;
	(pc) =	sbr.ind lr, $3  }
0x3a: {  	_ = 	snop  }
0x3b: {  	_ = 	snop  }
0x3c: {  	p2 =	seq.s32 s10, $0x1;
	s10 =	sld [smem:$0x3FB9]  }
0x3d: {  	_ =	shalt  }
0x3e: {  	_ =	shalt  }
0x3f: {  	_ =	shalt  }
0x40: {  	_ =	shalt  }
0x41: {  	_ =	shalt  }
0x42: {  	_ =	shalt  }
0x43: {  	_ =	shalt  }
0x44: {  	_ =	shalt  }
0x45: {  	_ =	shalt  }
0x46: {  	_ =	shalt  }
0x47: {  	_ =	shalt  }
0x48: {  	_ =	shalt  }
0x49: {  	_ =	shalt  }
0x4a: {  	_ =	shalt  }
0x4b: {  	_ =	shalt  }
0x4c: {  	_ =	shalt  }
0x4d: {  	_ =	shalt  }
0x4e: {  	_ =	shalt  }
0x4f: {  	_ =	shalt  }
0x50: {  	_ =	shalt  }
0x51: {  	_ =	shalt  }
0x52: {  	_ =	shalt  }
0x53: {  	_ =	shalt  }
0x54: {  	_ =	shalt  }
0x55: {  	_ =	shalt  }
0x56: {  	_ =	shalt  }
0x57: {  	_ =	shalt  }
0x58: {  	_ =	shalt  }
0x59: {  	_ =	shalt  }
0x5a: {  	_ =	shalt  }
0x5b: {  	_ =	shalt  }
0x5c: {  	_ =	shalt  }
0x5d: {  	_ =	shalt  }
0x5e: {  	_ =	shalt  }
0x5f: {  	_ =	shalt  }
0x60: {  	_ =	shalt  }
0x61: {  	_ =	shalt  }
0x62: {  	_ =	shalt  }
0x63: {  	_ =	shalt  }
0x64: {  	_ =	shalt  }
0x65: {  	_ =	shalt  }
0x66: {  	_ =	shalt  }
0x67: {  	_ =	shalt  }
0x68: {  	_ =	shalt  }
0x69: {  	_ =	shalt  }
0x6a: {  	_ =	shalt  }
0x6b: {  	_ =	shalt  }
0x6c: {  	_ =	shalt  }
0x6d: {  	_ =	shalt  }
0x6e: {  	_ =	shalt  }
0x6f: {  	_ =	shalt  }
0x70: {  	_ =	shalt  }
0x71: {  	_ =	shalt  }
0x72: {  	_ =	shalt  }
0x73: {  	_ =	shalt  }
0x74: {  	_ =	shalt  }
0x75: {  	_ =	shalt  }
0x76: {  	_ =	shalt  }
0x77: {  	_ =	shalt  }
0x78: {  	_ =	shalt  }
0x79: {  	_ =	shalt  }
0x7a: {  	_ =	shalt  }
0x7b: {  	_ =	shalt  }
0x7c: {  	_ =	shalt  }
0x7d: {  	_ =	shalt  }
0x7e: {  	_ =	shalt  }
0x7f: {  	_ =	shalt  }
0x80: {  	_ =	shalt  }
0x81: {  	_ =	shalt  }
0x82: {  	_ =	shalt  }
0x83: {  	_ =	shalt  }
0x84: {  	_ =	shalt  }
0x85: {  	_ =	shalt  }
0x86: {  	_ =	shalt  }
0x87: {  	_ =	shalt  }
.Lfunc_end0:
.L_simem_size_0:
called_computation_lowered:
.L_overlay_start_0:
0x88: {  	s0 =	sld [smem:$0x3FD9]  }
0x89: {  	s1 =	sld [smem:$0x3FFE];
	_ =	sdelay $0x3  }
0x8a: {  	s0 =	sadd.s32 s1, s0  }
0x8b: {  	[smem:$0x3FC5] =	sst s0  }
0x8c: {  	_ = 	snop  }
0x8d: {  	(tm) =	ssettm $0x1  }
0x8e: {  	s15 =	sld [smem:$0x3FFB];
	_ =	sdelay $0x3  }
0x8f: {  	_ =	strace s15  }
0x90: {  	s0 =	sld [smem:$0x3FFC];
	_ =	sdelay $0x3  }
0x91: {  	_ =	strace s0  }
0x92: {  	s0 =	sld [smem:$0x3FFD];
	_ =	sdelay $0x3  }
0x93: {  	_ =	strace s0  }
0x94: {  	_ =	strace $0x8FFFFFFF  }
0x95: {  	s16 =	sld [smem:$0x3FDB];
	_ =	sdelay $0x1  }
0x96: {  	s17 =	simm.s32 $_scs_section_size  }
0x97: {  	s2 =	simm.s32 $_size__tile_overlayer_lowered;
	s3 =	simm.s32 $_tile_overlayer_lowered  }
0x98: {  	s20 =	simm.s32 $0x1BFF;
	s19 =	sshll.u32 s3, $0x1;
	s0 =	sadd.s32 s17, s16  }
0x99: {  	s4 =	simm.s32 $0x0;
	s18 =	sshll.u32 s2, $0x1;
	s2 =	sadd.s32 s19, s0  }
0x9a: {  	[timem:s4], [sflag:s20] =	dma.local [hbm:s2], s18  }
0x9b: {  	_ =	swait.ge [sflag:s20], s18  }
0x9c: {  	s1 =	ssub.s32 $0x0, s18;
	[sflag:s20] =	ssyncset.done $0x0  }
0x9d: {  	[sflag:s20] =	ssyncadd.s32 s1;
	_ =	sdelay $0x1  }
0x9e: {  	s21 =	simm.s32 $0x1B8B  }
0x9f: {  	_ =	swait.ge [sflag:s21], $0x1  }
0xa0: {  	[sflag:s21] =	ssyncset.done $0x0  }
0xa1: {  	s23 =	simm.s32 $0x1B8E;
	s22 =	sld [smem:$0x3FFE];
	[sflag:s21] =	ssyncadd.s32 $0xFFFFFFFF  }
0xa2: {  	s24 =	simm.s32 $execute0_lowered;
	[smem:$0x3FD2] =	sst s23  }
0xa3: {  	s2 =	sshll.u32 s24, $0x1;
	_ =	strace $0x80000049;
	[dreg:$0x1] =	wrdreg $0xFFFFFFFF  }
0xa4: {  	s25 =	simm.s32 $_size_execute0_lowered;
	s0 =	sadd.s32 s0, s2;
	[dreg:$0x0] =	wrdreg $0x0  }
0xa5: {  	s2 =	sshll.u32 s25, $0x1;
	[dreg:$0x2] =	wrdreg s0  }
0xa6: {  	[dreg:$0x3] =	wrdreg s2  }
0xa7: {  	[dreg:$0x4] =	wrdreg $0xC0  }
0xa8: {  	_ =	task [dreg:s4], $0x5FFFF  }
0xa9: {  	[dreg:$0x1] =	wrdreg $0xFFFFFFFF  }
0xaa: {  	[dreg:$0x0] =	wrdreg $0x60  }
0xab: {  	[dreg:$0x2] =	wrdreg s22  }
0xac: {  	[dreg:$0x3] =	wrdreg $0x9  }
0xad: {  	_ =	task.clear_ibuf [dreg:s4], $0x4FFFF;
	_ =	strace $0x90000049  }
0xae: {  	s26 =	simm.s32 $0x9;
	_ =	strace $0x8000004B  }
0xaf: {  	_ =	swait.ge [sflag:s26], $0x1  }
0xb0: {  	[sflag:s26] =	ssyncadd.s32 $0xFFFFFFFF  }
0xb1: {  	_ =	strace $0x9000004B  }
0xb2: {  	_ =	sfence  }
0xb3: {  	s28 =	sld [smem:$0x0];
	_ =	sdelay $0x1  }
0xb4: {  	s29 =	srdreg.scid  }
0xb5: {  	s30 =	sshll.u32 s29, $0xD;
	s31 =	sshrl.u32 s29, $0x2  }
0xb6: {  	s1 =	sand.u32 $0x1, s29;
	s2 =	sand.u32 $0x4000, s30;
	s0 =	sadd.s32 s31, s28  }
0xb7: {  	s1 =	sor.u32 s2, s1;
	s0 =	sshll.u32 s0, $0x11  }
0xb8: {  	s0 =	sor.u32 s0, s1  }
0xb9: {  	s0 =	sadd.s32 $0x8F2B, s0  }
0xba: {  	[sflag:s0] =	ssyncadd.remote.s32 $0x1  }
0xbb: {  	_ =	sfence.sel $0xFFFF  }
0xbc: {  	[dreg:$0x0] =	wrdreg $0xFFFFFFFF;
	(pc) =	sbr.abs _section_cstart, $3  }
0xbd: {  	[dreg:$0x1] =	wrdreg $0xFFFFFFFF  }
0xbe: {  	_ =	task.clear_ibuf [dreg:s4], $0x2FFFF;
	_ =	strace $0x9FFFFFFF  }
0xbf: {  	(tm) =	ssettm $0x7FFFFFFF  }
tec
execute0_lowered:
.L_overlay_start_1:
0x0: {  	(tag) =	ssettag $0x1  }
0x1: {  	s0 =	stileid.u32  }
0x2: {  	s1 =	smin.u32 s0, $0x3;
	s2 =	sshll.u32 s0, $0x1  }
0x3: {  	s1 =	sadd.s32 s1, s2  }
0x4: {  	p0 =	slt.u32 s0, $0x3;
	s2 =	simm.s32 $0x4B0;
	s1 =	smul.u32 $0x190, s1  }
0x5: {  	s2 =	simm.s32 @!p0 $0x320  }
0x6: {  	s2 =	sadd.s32 s2, s1  }
0x7: {  	s3 =	smin.u32 s2, $0x36B0  }
0x8: {  	s7 =	ssub.s32 s3, s1  }
0x9: {  	p0 =	sgt.s32 s7, $0x0  }
0xa: {  	s7 =	simm.s32 @!p0 $0x0  }
0xb: {  	s31 =	sand.u32 $0xFFF0, s7  }
0xc: {  	s2 =	sshrl.u32 s31, $0x4  }
0xd: {  	s2 =	smul.u32 $0xA3E, s2  }
0xe: {  	s9 =	rddreg [dreg:$0x0];
	s6 =	simm.s32 $0x1;
	s11 =	simm.s32 $0x3  }
0xf: {  	s13 =	simm.s32 $0x0;
	s12 =	simm.s32 $0x0;
	s8 =	sshrl.u32 s2, $0x10  }
0x10: {  	s4 =	sadd.s32 $0x85E00, s9;
	s5 =	sadd.s32 $0x85600, s9;
	s10 =	smul.u32 $0x190, s8  }
.Ltmp0:
0x11: {  	s9 =	sadd.s32 $0x2F6E00, s9;
	s2 =	rddreg [dreg:$0x1];
	(pc) =	sbr.rel .LBB2_1-.Ltmp0, $4  }
0x12: {  	_ =	strace $0x8000004A;
	p0 =	sne.s32 s7, s10;
	s10 =	simm.s32 $0x1  }
0x13: {  	[sflag:s6] =	ssyncpa.u1 $0x0;
	s7 =	simm.s32 $0x2;
	s10 =	simm.s32 @!p0 $0x0  }
0x14: {  	[sflag:s7] =	ssyncpa.u1 $0x0;
	p0 =	por $0x0, $0x0;
	s8 =	sadd.s32 s8, s10  }
0x15: {  	vm0 =	vmmov $0xff;
	vm1 =	vcmask $0x3F20;
	[sflag:s11] =	ssyncpa.u1 $0x0;
	s11 =	smov.u32 s1;
	s10 =	sadd.s32 $0x1, s8  }
.LBB2_6:
0x16: {  	[hbm:s17] =	stream.linear.scatter [tilespmem:s14], [sflag:$0x3], $0x400, $0x38;
	[tilespmem:$0x19320] =	vst v63  }
.LBB2_7:
0x17: {  	s13 =	sadd.s32 $0x190, s11  }
0x18: {  	s15 =	smov.u32 s1;
	p2 =	slt.s32 s13, s3  }
0x19: {  	s15 =	smov.u32 @p2 s13;
	p2 =	sne.s32 s12, s10  }
.Ltmp1:
0x1a: {  	p1 =	slt.u32 s12, $0x2;
	(pc) =	sbr.rel @!p2 .LBB2_8-.Ltmp1, $4  }
0x1b: {  	s14 =	simm.s32 @!p1 $0x3  }
0x1c: {  	s16 =	sadd.s32 $0x1, s12;
	_ =	swait.ge @!p1 [sflag:s14], $0xC800  }
0x1d: {  	p0 =	por !p0, !p0;
	s13 =	smov.u32 s11;
	[sflag:s14] =	ssyncset.done @!p1 $0x0  }
0x1e: {  	s12 =	smov.u32 s16;
	s11 =	smov.u32 s15;
	[sflag:s14] =	ssyncadd.s32 @!p1 $0xFFFF3800  }
.LBB2_1:
0x1f: {  	p1 =	sge.u32 s12, s8  }
0x20: {  	s14 =	sxor.u32 @!p1 $0xFFFFFFFF, s12  }
0x21: {  	s14 =	sand.u32 @!p1 $0x1, s14  }
0x22: {  	s14 =	smul.u32 @!p1 $0x640, s14  }
0x23: {  	s31 =	sadd.s32 $0xFFFFFFFF, s12;
	s15 =	sshrl.u32 @!p1 s11, $0x3  }
0x24: {  	s16 =	sand.u32 @!p1 $0x7, s11;
	s15 =	sadd.s32 @!p1 s5, s15;
	s14 =	sshrl.u32 @!p1 s14, $0x2  }
0x25: {  	[tilespmem:s14], [sflag:$0x2] =	stream.linear.gather @!p1 [hbm4b:s15+s16], $0x190, $0x38;
	[tilespmem:$0x19320] =	vst v63  }
0x26: {  	p1 =	sge.u32 s31, s8  }
.Ltmp2:
0x27: {  	_ = 	snop;
	(pc) =	sbr.rel @p1 .LBB2_7-.Ltmp2, $1  }
0x28: {  	_ =	sdelay $0x3  }
0x29: {  	s14 =	simm.s32 $0x1  }
0x2a: {  	s14 =	simm.s32 @!p0 $0x0  }
0x2b: {  	s15 =	smul.u32 $0x640, s14  }
0x2c: {  	_ =	swait.ge [sflag:s7], $0x190  }
0x2d: {  	[sflag:s7] =	ssyncset.done $0x0;
	s16 =	sshrl.u32 s15, $0x2  }
0x2e: {  	[sflag:s7] =	ssyncadd.s32 $0xFFFFFE70;
	s15 =	sadd.s32 $0x0, s16  }
0x2f: {  	v0 =	vld.msk [tilespmem:s15+$0x0 ss:$0x1], $0xffff;
	_ =	sdelay $0x4  }
0x30: {  	v1 =	vshrl.u32 v0, $0xF  }
0x31: {  	vm2 =	veq.s32 v0, $0x80000000;
	v0 =	vshll.u32 v0, $0xA;
	v1 =	vand.u32 $0x7, v1  }
0x32: {  	v0 =	vand.u32 $0x1FFFC00, v0;
	v1 =	vsel vm2, $0xFFFFFFFF, v1  }
0x33: {  	v0 =	vsel vm2, $0xFFFFFC00, v0;
	v2 =	vand.u32 $0xFFFFFC00, v1;
	v1 =	vshll.u32 v1, $0x7  }
0x34: {  	v0 =	vadd.s32 v0, v2;
	v1 =	vand.u32 $0x380, v1  }
0x35: {  	v0 =	vor.u32 v1, v0  }
0x36: {  	v0 =	vshrl.u32 v0, $0x3  }
0x37: {  	s14 =	smul.u32 $0x32000, s14;
	_ =	sdelay $0x1  }
0x38: {  	s14 =	sshrl.u32 s14, $0x2  }
0x39: {  	s14 =	sor.u32 $0x320, s14  }
0x3a: {  	[tilespmem:s14], [sflag:$0x1] =	stream.indirect_vreg.gather [hbm:s4], $0x80, v0, vm0, $0x38;
	[tilespmem:$0x19320] =	vst v63  }
0x3b: {  	s17 =	sadd.s32 $0x10, s16;
	s15 =	sadd.s32 $0x400, s14  }
0x3c: {  	[tilespmem:s15], [sflag:$0x1] =	stream.indirect_vreg.gather [hbm:s4], $0x80, v0, vm1, $0x38;
	[tilespmem:$0x19320] =	vst v63  }
0x3d: {  	s18 =	simm.s32 $0x80;
	v0 =	vld.msk [tilespmem:s17+$0x0 ss:$0x1], $0xffff;
	s17 =	smov.u32 s14  }
.LBB2_3:
0x3e: {  	p1 =	sne.s32 s18, $0x600;
	_ =	sdelay $0x4  }
0x3f: {  	v1 =	vshrl.u32 v0, $0xF  }
0x40: {  	vm2 =	veq.s32 v0, $0x80000000;
	v0 =	vshll.u32 v0, $0xA;
	v1 =	vand.u32 $0x7, v1  }
0x41: {  	v0 =	vand.u32 $0x1FFFC00, v0;
	v1 =	vsel vm2, $0xFFFFFFFF, v1  }
0x42: {  	v0 =	vsel vm2, $0xFFFFFC00, v0;
	v2 =	vand.u32 $0xFFFFFC00, v1;
	v1 =	vshll.u32 v1, $0x7  }
0x43: {  	v0 =	vadd.s32 v0, v2;
	v1 =	vand.u32 $0x380, v1  }
0x44: {  	v0 =	vor.u32 v1, v0  }
0x45: {  	v0 =	vshrl.u32 v0, $0x3;
	_ =	sdelay $0x3  }
.Ltmp3:
0x46: {  	s19 =	sshra.s32 s18, $0x2;
	s17 =	sadd.s32 $0x800, s17;
	(pc) =	sbr.rel @p1 .LBB2_3-.Ltmp3, $4  }
0x47: {  	[tilespmem:s17], [sflag:$0x1] =	stream.indirect_vreg.gather [hbm:s4], $0x80, v0, vm0, $0x38;
	[tilespmem:$0x19320] =	vst v63  }
0x48: {  	s19 =	sadd.s32 s19, s16;
	s20 =	sadd.s32 $0x400, s17  }
0x49: {  	[tilespmem:s20], [sflag:$0x1] =	stream.indirect_vreg.gather [hbm:s4], $0x80, v0, vm1, $0x38;
	[tilespmem:$0x19320] =	vst v63  }
0x4a: {  	s18 =	sadd.s32 $0x40, s18;
	v0 =	vld.msk [tilespmem:s19+$0x0 ss:$0x1], $0xffff  }
0x4b: {  	_ =	sdelay $0x3  }
0x4c: {  	v1 =	vshrl.u32 v0, $0xF  }
0x4d: {  	vm2 =	veq.s32 v0, $0x80000000;
	v63 =	vshll.u32 v0, $0xA;
	v1 =	vand.u32 $0x7, v1  }
0x4e: {  	v0 =	vand.u32 $0x1FFFC00, v63;
	v1 =	vsel vm2, $0xFFFFFFFF, v1  }
0x4f: {  	v0 =	vsel vm2, $0xFFFFFC00, v0;
	v2 =	vand.u32 $0xFFFFFC00, v1;
	v1 =	vshll.u32 v1, $0x7  }
0x50: {  	v0 =	vadd.s32 v0, v2;
	v1 =	vand.u32 $0x380, v1  }
0x51: {  	v0 =	vor.u32 v1, v0  }
0x52: {  	v0 =	vshrl.u32 v0, $0x3;
	_ =	sdelay $0x3  }
0x53: {  	s16 =	sadd.s32 $0x800, s17  }
0x54: {  	[tilespmem:s16], [sflag:$0x1] =	stream.indirect_vreg.gather [hbm:s4], $0x80, v0, vm0, $0x38;
	[tilespmem:$0x19320] =	vst v63  }
0x55: {  	s16 =	sadd.s32 $0x400, s16  }
0x56: {  	[tilespmem:s16], [sflag:$0x1] =	stream.indirect_vreg.gather [hbm:s4], $0x80, v0, vm1, $0x38;
	[tilespmem:$0x19320] =	vst v63  }
0x57: {  	s13 =	sshll.u32 s13, $0x4;
	_ =	swait.ge [sflag:s6], $0xC800  }
0x58: {  	s13 =	sadd.s32 s13, s9;
	[sflag:s6] =	ssyncset.done $0x0  }
0x59: {  	s17 =	sadd.s32 $0x0, s13;
	s16 =	simm.s32 $0x80;
	[sflag:s6] =	ssyncadd.s32 $0xFFFF3800  }
.LBB2_5:
0x5a: {  	[hbm:s17] =	stream.linear.scatter [tilespmem:s14], [sflag:$0x3], $0x400, $0x38;
	[tilespmem:$0x19320] =	vst v63  }
0x5b: {  	s17 =	smov.u32 s16;
	s14 =	smov.u32 s15;
	p1 =	sne.s32 s16, $0x1880  }
.Ltmp4:
0x5c: {  	s16 =	sadd.s32 $0x80, s16;
	(pc) =	sbr.rel @p1 .LBB2_5-.Ltmp4, $2  }
0x5d: {  	_ =	sdelay $0x2  }
0x5e: {  	s15 =	sadd.s32 $0x400, s15;
	s17 =	sadd.s32 s17, s13  }
.Ltmp5:
0x5f: {  	_ = 	snop;
	(pc) =	sbr.rel .LBB2_6-.Ltmp5, $1  }
0x60: {  	_ =	sdelay $0x3  }
.LBB2_8:
0x61: {  	_ =	sfence.sel $0x180000  }
0x62: {  	s1 =	simm.s32 $0x2;
	[bflag:$0x0] =	sbarrier.arrive $0xFFFF  }
0x63: {  	s30 =	simm.s32 $0x3;
	[sflag:s1] =	ssyncpa.u1 $0x1  }
0x64: {  	s31 =	simm.s32 $0x1;
	[sflag:s30] =	ssyncpa.u1 $0x1  }
0x65: {  	[sflag:s31] =	ssyncpa.u1 $0x1  }
0x66: {  	p0 =	sne.s32 s0, $0x0;
	_ =	strace $0x9000004A  }
0x67: {  	s0 =	sadd.s32 @!p0 $0x100000, s2;
	[bflag:$0x2] =	sbarrier.arrive $0xFFFF  }
0x68: {  	[sflag:s0] =	ssyncadd.tile.s32 @!p0 $0x1;
	_ =	shalt  }
.Lfunc_end2:
_tile_overlayer_lowered:
.L_overlay_start_2:
0x69: {  	(tag) =	ssettag $0x2  }
0x6a: {  	s0 =	rddreg [dreg:$0x0];
	s2 =	stileid.u32  }
0x6b: {  	s1 =	rddreg [dreg:$0x1];
	p0 =	sne.s32 s2, $0x0  }
0x6c: {  	s3 =	rddreg [dreg:$0x2];
	[bflag:$0x3] =	sbarrier.arrive $0xFFFF;
	s2 =	simm.s32 @!p0 $0x1C01  }
0x6d: {  	[timem:s3], [sflag:s2] =	dma.local @!p0 [hbm:s0], s1  }
0x6e: {  	s0 =	simm.s32 @!p0 $0x1  }
0x6f: {  	_ =	swait.ge @!p0 [sflag:s0], s1  }
0x70: {  	s1 =	ssub.s32 @!p0 $0x0, s1;
	[sflag:s0] =	ssyncset.done @!p0 $0x0  }
0x71: {  	[sflag:s0] =	ssyncadd.s32 @!p0 s1  }
0x72: {  	[bflag:$0x3] =	sbarrier.arrive $0xFFFF  }
0x73: {  	_ =	shalt  }

</sc_bundles>
